<compile_context>
chip_gen: v7x
topology: tpu7x:2x2x1
jax: 0.10.2.dev20260603
libtpu: 0.0.44.dev20260713+nightly
codegen_flags: <defaults>
</compile_context>

<pallas_src>
import jax
import jax.numpy as jnp
from jax import lax
from jax.experimental import pallas as pl
from jax.experimental.pallas import tpu as pltpu
from jax.experimental.pallas import tpu_sc as plsc

N = 10000
E = 320000
D = 128
H = 64
C = 40

NC = 2
NS = 16
CH = 128
TCH = E // CH
T0 = 1250
T1 = TCH - T0
Q0, R0 = T0 // NS, T0 % NS
Q1, R1 = T1 // NS, T1 % NS
NCHMAX = max(Q0, Q1) + 1
CHROWS = TCH + NCHMAX + 8
NPAD = 10240
RPT = NPAD // NS
PAD_IDX = NPAD - 1

BM = 10240
BMF = 10000


def _mesh():
    return plsc.VectorSubcoreMesh(core_axis_name="c", subcore_axis_name="s")


_SC_PARAMS = pltpu.CompilerParams(use_tc_tiling_on_sc=False)



def _tile_range(c, s):
    q = jnp.where(c == 0, Q0, Q1)
    r = jnp.where(c == 0, R0, R1)
    base = jnp.where(c == 0, 0, T0)
    start = base + s * q + jnp.minimum(s, r)
    n = q + (s < r).astype(jnp.int32)
    return start, n


def _deg_body(dstf, ones_hbm, zeros_hbm, out, dst_v, ones_v, acc):
    c = lax.axis_index("c")
    s = lax.axis_index("s")
    start, n = _tile_range(c, s)
    pltpu.sync_copy(zeros_hbm.at[pl.ds(s * RPT, RPT)], acc.at[pl.ds(s * RPT, RPT)])
    pltpu.sync_copy(dstf.at[pl.ds(start, NCHMAX)], dst_v)
    pltpu.sync_copy(ones_hbm, ones_v)
    plsc.subcore_barrier()

    def chunk(i, carry):
        pltpu.sync_copy(ones_v, acc.at[dst_v.at[i]], add=True)
        return carry

    lax.fori_loop(0, n, chunk, 0)
    plsc.subcore_barrier()
    pltpu.sync_copy(acc.at[pl.ds(s * RPT, RPT)], out.at[c, pl.ds(s * RPT, RPT)])


def _deg_call(dstf, ones16, zeros16):
    return pl.kernel(
        _deg_body,
        out_type=jax.ShapeDtypeStruct((NC, NPAD, 16), jnp.bfloat16),
        mesh=_mesh(),
        scratch_types=[
            pltpu.VMEM((NCHMAX, CH), jnp.int32),
            pltpu.VMEM((CH, 16), jnp.bfloat16),
            pltpu.VMEM_SHARED((NPAD, 16), jnp.bfloat16),
        ],
        compiler_params=_SC_PARAMS,
    )(dstf, ones16, zeros16)


def _agg_body(u_hbm, srcf, dstf, zeros_hbm, out, src_v, dst_v, rows_v, acc, sem):
    c = lax.axis_index("c")
    s = lax.axis_index("s")
    start, n = _tile_range(c, s)
    pltpu.sync_copy(zeros_hbm.at[pl.ds(s * RPT, RPT)], acc.at[pl.ds(s * RPT, RPT)])
    pltpu.sync_copy(srcf.at[pl.ds(start, NCHMAX)], src_v)
    pltpu.sync_copy(dstf.at[pl.ds(start, NCHMAX)], dst_v)
    plsc.subcore_barrier()

    def chunk(i, carry):
        pltpu.async_copy(u_hbm.at[src_v.at[i]], rows_v, sem).wait()
        pltpu.sync_copy(rows_v, acc.at[dst_v.at[i]], add=True)
        return carry

    lax.fori_loop(0, n, chunk, 0)
    plsc.subcore_barrier()
    pltpu.sync_copy(acc.at[pl.ds(s * RPT, RPT)], out.at[c, pl.ds(s * RPT, RPT)])


def _agg_call(u_bf, srcf, dstf, zeros_bf):
    return pl.kernel(
        _agg_body,
        out_type=jax.ShapeDtypeStruct((NC, NPAD, H), jnp.bfloat16),
        mesh=_mesh(),
        scratch_types=[
            pltpu.VMEM((NCHMAX, CH), jnp.int32),
            pltpu.VMEM((NCHMAX, CH), jnp.int32),
            pltpu.VMEM((CH, H), jnp.bfloat16),
            pltpu.VMEM_SHARED((NPAD, H), jnp.bfloat16),
            pltpu.SemaphoreType.DMA,
        ],
        compiler_params=_SC_PARAMS,
    )(u_bf, srcf, dstf, zeros_bf)



def _dinv_block(deg_ref, base_rows):
    deg = (deg_ref[0][:, 0:1] + deg_ref[1][:, 0:1]).astype(jnp.float32) + 1.0
    rows = base_rows + lax.broadcasted_iota(jnp.int32, deg.shape, 0)
    return jnp.where(rows < N, lax.rsqrt(deg), 0.0)


def _mm_scale_body(deg_ref, x_ref, w_ref, ob_ref):
    i = pl.program_id(0)
    dinv = _dinv_block(deg_ref, i * BM)
    rows = i * BM + lax.broadcasted_iota(jnp.int32, (BM, 1), 0)
    g = jnp.dot(x_ref[...], w_ref[...], preferred_element_type=jnp.float32)
    u = jnp.where(rows < N, g * dinv, 0.0)
    ob_ref[...] = u.astype(jnp.bfloat16)


def _mm_scale(degp, x, W1):
    return pl.pallas_call(
        _mm_scale_body,
        grid=(NPAD // BM,),
        in_specs=[
            pl.BlockSpec((NC, BM, 16), lambda i: (0, i, 0)),
            pl.BlockSpec((BM, D), lambda i: (i, 0)),
            pl.BlockSpec((D, H), lambda i: (0, 0)),
        ],
        out_specs=pl.BlockSpec((BM, H), lambda i: (i, 0)),
        out_shape=jax.ShapeDtypeStruct((NPAD, H), jnp.bfloat16),
    )(degp, x, W1)


def _comb_mm_body(deg_ref, sp_ref, u_ref, b_ref, w_ref, ob_ref):
    i = pl.program_id(0)
    dinv = _dinv_block(deg_ref, i * BM)
    t = (sp_ref[0] + sp_ref[1]).astype(jnp.float32) + u_ref[...].astype(jnp.float32)
    h = jnp.maximum(dinv * t + b_ref[...], 0.0)
    u = dinv * jnp.dot(h, w_ref[...], preferred_element_type=jnp.float32)
    ob_ref[...] = u.astype(jnp.bfloat16)


def _comb_mm(degp, sp, u, b_row, W):
    return pl.pallas_call(
        _comb_mm_body,
        grid=(NPAD // BM,),
        in_specs=[
            pl.BlockSpec((NC, BM, 16), lambda i: (0, i, 0)),
            pl.BlockSpec((NC, BM, H), lambda i: (0, i, 0)),
            pl.BlockSpec((BM, H), lambda i: (i, 0)),
            pl.BlockSpec((1, H), lambda i: (0, 0)),
            pl.BlockSpec((H, H), lambda i: (0, 0)),
        ],
        out_specs=pl.BlockSpec((BM, H), lambda i: (i, 0)),
        out_shape=jax.ShapeDtypeStruct((NPAD, H), jnp.bfloat16),
    )(degp, sp, u, b_row, W)


def _comb_body(deg_ref, sp_ref, u_ref, b_ref, ob_ref):
    i = pl.program_id(0)
    dinv = _dinv_block(deg_ref, i * BM)
    t = (sp_ref[0] + sp_ref[1]).astype(jnp.float32) + u_ref[...].astype(jnp.float32)
    u = dinv * jnp.maximum(dinv * t + b_ref[...], 0.0)
    ob_ref[...] = u.astype(jnp.bfloat16)


def _comb(degp, sp, u, b_row):
    return pl.pallas_call(
        _comb_body,
        grid=(NPAD // BM,),
        in_specs=[
            pl.BlockSpec((NC, BM, 16), lambda i: (0, i, 0)),
            pl.BlockSpec((NC, BM, H), lambda i: (0, i, 0)),
            pl.BlockSpec((BM, H), lambda i: (i, 0)),
            pl.BlockSpec((1, H), lambda i: (0, 0)),
        ],
        out_specs=pl.BlockSpec((BM, H), lambda i: (i, 0)),
        out_shape=jax.ShapeDtypeStruct((NPAD, H), jnp.bfloat16),
    )(degp, sp, u, b_row)


def _final_body(deg_ref, sp_ref, u_ref, wf_ref, bf_ref, o_ref):
    deg = (deg_ref[0][:, 0:1] + deg_ref[1][:, 0:1]).astype(jnp.float32) + 1.0
    dinv = lax.rsqrt(deg)
    t = dinv * ((sp_ref[0] + sp_ref[1]).astype(jnp.float32) + u_ref[...].astype(jnp.float32))
    z = jnp.dot(t, wf_ref[...], preferred_element_type=jnp.float32) + bf_ref[...]
    m = jnp.max(z, axis=1, keepdims=True)
    lse = m + jnp.log(jnp.sum(jnp.exp(z - m), axis=1, keepdims=True))
    o_ref[...] = z - lse


def _final(degp, sp, u, Wf, bf_row):
    return pl.pallas_call(
        _final_body,
        grid=(N // BMF,),
        in_specs=[
            pl.BlockSpec((NC, BMF, 16), lambda i: (0, i, 0)),
            pl.BlockSpec((NC, BMF, H), lambda i: (0, i, 0)),
            pl.BlockSpec((BMF, H), lambda i: (i, 0)),
            pl.BlockSpec((H, C), lambda i: (0, 0)),
            pl.BlockSpec((1, C), lambda i: (0, 0)),
        ],
        out_specs=pl.BlockSpec((BMF, C), lambda i: (i, 0)),
        out_shape=jax.ShapeDtypeStruct((N, C), jnp.float32),
    )(degp, sp, u, Wf, bf_row)



def kernel(x, edge_index, W1, b1, W2, b2, Wf, bf):
    ei = edge_index.astype(jnp.int32)
    tail = jnp.full((CHROWS * CH - E,), PAD_IDX, jnp.int32)
    srcf = jnp.concatenate([ei[0], tail]).reshape(CHROWS, CH)
    dstf = jnp.concatenate([ei[1], tail]).reshape(CHROWS, CH)

    zeros16 = jnp.zeros((NPAD, 16), jnp.bfloat16)
    zeros_bf = jnp.zeros((NPAD, H), jnp.bfloat16)
    ones16 = jnp.ones((CH, 16), jnp.bfloat16)
    b1r = b1.reshape(1, H)
    b2r = b2.reshape(1, H)
    bfr = bf.reshape(1, C)

    degp = _deg_call(dstf, ones16, zeros16)
    u1 = _mm_scale(degp, x, W1)
    s1 = _agg_call(u1, srcf, dstf, zeros_bf)
    u2 = _comb_mm(degp, s1, u1, b1r, W2)
    s2 = _agg_call(u2, srcf, dstf, zeros_bf)
    u3 = _comb(degp, s2, u2, b2r)
    s3 = _agg_call(u3, srcf, dstf, zeros_bf)
    return _final(degp, s3, u3, Wf, bfr)

# --- scband reference (transcript-rebuilt; emitter-appended) ---
"""Pipeline reference for scband-dropgnn-1623497638676 (READ-ONLY COPY).

The authoritative reference and input builder live on the scoring server;
editing this copy changes nothing except your own understanding.
"""

import jax, jax.numpy as jnp
import numpy as np

N_NODES = 10000
N_EDGES = 320000
D_FEAT = 128
HIDDEN = 64
N_CLASSES = 40


def setup_inputs(seed: int = 0) -> dict:
    key = jax.random.key(seed)
    ks = jax.random.split(key, 8)
    x = jax.random.normal(ks[0], (N_NODES, D_FEAT), dtype=jnp.float32)
    edge_index = jax.random.randint(ks[1], (2, N_EDGES), 0, N_NODES, dtype=jnp.int64)
    # GCNConv weights (PyG: glorot init, lin has no bias; bias added after aggregation)
    def glorot(k, shape):
        limit = float(np.sqrt(6.0 / (shape[0] + shape[1])))
        return jax.random.uniform(k, shape, dtype=jnp.float32, minval=-limit, maxval=limit)
    W1 = glorot(ks[2], (D_FEAT, HIDDEN))
    b1 = jnp.zeros((HIDDEN,), dtype=jnp.float32)
    W2 = glorot(ks[3], (HIDDEN, HIDDEN))
    b2 = jnp.zeros((HIDDEN,), dtype=jnp.float32)
    Wf = glorot(ks[4], (HIDDEN, N_CLASSES))
    bf = jnp.zeros((N_CLASSES,), dtype=jnp.float32)
    return {"x": x, "edge_index": edge_index, "W1": W1, "b1": b1, "W2": W2, "b2": b2, "Wf": Wf, "bf": bf}


def _gcn_conv(x, edge_index, W, b):
    # Faithful PyG GCNConv: add self-loops, symmetric normalization, linear, scatter-add, bias
    n = x.shape[0]
    loops = jnp.arange(n, dtype=edge_index.dtype)
    src = jnp.concatenate([edge_index[0], loops])
    dst = jnp.concatenate([edge_index[1], loops])
    deg = jax.ops.segment_sum(jnp.ones(src.shape[0], dtype=x.dtype), dst, num_segments=n)
    dinv = jnp.where(deg > 0, 1.0 / jnp.sqrt(deg), 0.0)
    norm = dinv[src] * dinv[dst]
    h = x @ W
    msgs = h[src] * norm[:, None]
    out = jax.ops.segment_sum(msgs, dst, num_segments=n)
    return out + b


def reference(x, edge_index, W1, b1, W2, b2, Wf, bf):
    # Eval-mode forward: AdaptiveDropout and F.dropout are identity when not training
    h = x
    h = _gcn_conv(h, edge_index, W1, b1)
    h = jax.nn.relu(h)
    h = _gcn_conv(h, edge_index, W2, b2)
    h = jax.nn.relu(h)
    h = _gcn_conv(h, edge_index, Wf, bf)
    return jax.nn.log_softmax(h, axis=1)

if __name__ == "__main__":
    import jax
    _d = setup_inputs()
    print(jax.jit(kernel)(*tuple(_d.values())))

</pallas_src>

<mosaic_0001>
#map = affine_map<(d0, d1) -> (0, 0)>
#map1 = affine_map<(d0, d1) -> (0, 0, 0)>
module attributes {stable_mosaic.version = 14 : i64} {
  func.func @_agg_body(%arg0: i32, %arg1: i32, %arg2: memref<10240x64xbf16, #tpu.memory_space<hbm>>, %arg3: memref<2587x128xi32, #tpu.memory_space<hbm>>, %arg4: memref<2587x128xi32, #tpu.memory_space<hbm>>, %arg5: memref<10240x64xbf16, #tpu.memory_space<hbm>>, %arg6: memref<2x10240x64xbf16, #tpu.memory_space<hbm>>, %arg7: memref<79x128xi32, #tpu.memory_space<vmem>>, %arg8: memref<79x128xi32, #tpu.memory_space<vmem>>, %arg9: memref<128x64xbf16, #tpu.memory_space<vmem>>, %arg10: memref<10240x64xbf16, #tpu.memory_space<vmem_shared>>, %arg11: memref<!tpu.dma_semaphore, #tpu.memory_space<semaphore_mem>>) attributes {dimension_semantics = [#tpu.dimension_semantics<core_parallel>, #tpu.dimension_semantics<subcore_parallel>], iteration_bounds = array<i64: 2, 16>, scalar_prefetch = 0 : i64, scratch_operands = 5 : i64, tpu.core_type = #tpu.core_type<sc_vector_subcore>, window_params = [{transform_indices = #map}, {transform_indices = #map}, {transform_indices = #map}, {transform_indices = #map}, {transform_indices = #map1}]} {
    %eq3A = arith.constant 0 : i32
    %eq3A_0 = arith.cmpi eq, %arg0, %eq3A : i32
    %jit3A = arith.constant 78 : i32
    %jit3A_1 = arith.constant 78 : i32
    %select_n3A = arith.select %eq3A_0, %jit3A, %jit3A_1 : i32
    %eq3A_2 = arith.constant 0 : i32
    %eq3A_3 = arith.cmpi eq, %arg0, %eq3A_2 : i32
    %jit3A_4 = arith.constant 2 : i32
    %jit3A_5 = arith.constant 2 : i32
    %select_n3A_6 = arith.select %eq3A_3, %jit3A_4, %jit3A_5 : i32
    %eq3A_7 = arith.constant 0 : i32
    %eq3A_8 = arith.cmpi eq, %arg0, %eq3A_7 : i32
    %jit3A_9 = arith.constant 0 : i32
    %jit3A_10 = arith.constant 1250 : i32
    %select_n3A_11 = arith.select %eq3A_8, %jit3A_9, %jit3A_10 : i32
    %mul3A = arith.muli %arg1, %select_n3A : i32
    %add3A = arith.addi %select_n3A_11, %mul3A : i32
    %min3A = arith.minsi %arg1, %select_n3A_6 : i32
    %add3A_12 = arith.addi %add3A, %min3A : i32
    %lt3A = arith.cmpi slt, %arg1, %select_n3A_6 : i32
    %convert_element_type3A = arith.extui %lt3A : i1 to i32
    %add3A_13 = arith.addi %select_n3A, %convert_element_type3A : i32
    %mul3A_14 = arith.constant 640 : i32
    %mul3A_15 = arith.muli %arg1, %mul3A_14 : i32
    %mul3A_16 = arith.constant 640 : i32
    %mul3A_17 = arith.muli %arg1, %mul3A_16 : i32
    "tpu.region"() ({
      %run_scoped3A = tpu.sem_alloc : memref<!tpu.dma_semaphore, #tpu.memory_space<semaphore_mem>>
      %dma_start3A = arith.constant 0 : i32
      %dma_start3A_32 = tpu.memref_slice %arg10[%mul3A_17, %dma_start3A] : memref<10240x64xbf16, #tpu.memory_space<vmem_shared>> -> memref<640x64xbf16, #tpu.memory_space<vmem_shared>>
      %dma_start3A_33 = arith.constant 0 : i32
      %dma_start3A_34 = tpu.memref_slice %arg5[%mul3A_15, %dma_start3A_33] : memref<10240x64xbf16, #tpu.memory_space<hbm>> -> memref<640x64xbf16, #tpu.memory_space<hbm>>
      tpu.enqueue_dma source(%dma_start3A_34 : memref<640x64xbf16, #tpu.memory_space<hbm>>) target(%dma_start3A_32 : memref<640x64xbf16, #tpu.memory_space<vmem_shared>>) target_semaphore(%run_scoped3A : memref<!tpu.dma_semaphore, #tpu.memory_space<semaphore_mem>>)
      %dma_wait3A = arith.constant 0 : i32
      %dma_wait3A_35 = tpu.memref_slice %arg10[%mul3A_17, %dma_wait3A] : memref<10240x64xbf16, #tpu.memory_space<vmem_shared>> -> memref<640x64xbf16, #tpu.memory_space<vmem_shared>>
      %dma_wait3A_36 = arith.constant 0 : i32
      %dma_wait3A_37 = tpu.memref_slice %arg5[%mul3A_15, %dma_wait3A_36] : memref<10240x64xbf16, #tpu.memory_space<hbm>> -> memref<640x64xbf16, #tpu.memory_space<hbm>>
      tpu.wait_dma2 semaphore(%run_scoped3A : memref<!tpu.dma_semaphore, #tpu.memory_space<semaphore_mem>>) src(%dma_wait3A_37 : memref<640x64xbf16, #tpu.memory_space<hbm>>) dst(%dma_wait3A_35 : memref<640x64xbf16, #tpu.memory_space<vmem_shared>>)
      tpu.yield
    }) : () -> ()
    "tpu.region"() ({
      %run_scoped3A = tpu.sem_alloc : memref<!tpu.dma_semaphore, #tpu.memory_space<semaphore_mem>>
      %dma_start3A = arith.constant 0 : i32
      %dma_start3A_32 = tpu.memref_slice %arg3[%add3A_12, %dma_start3A] : memref<2587x128xi32, #tpu.memory_space<hbm>> -> memref<79x128xi32, #tpu.memory_space<hbm>>
      %dma_start3A_33 = arith.constant 0 : i32
      %dma_start3A_34 = tpu.memref_slice %arg3[%add3A_12, %dma_start3A_33] : memref<2587x128xi32, #tpu.memory_space<hbm>> -> memref<79x128xi32, #tpu.memory_space<hbm>>
      tpu.enqueue_dma source(%dma_start3A_34 : memref<79x128xi32, #tpu.memory_space<hbm>>) target(%arg7 : memref<79x128xi32, #tpu.memory_space<vmem>>) target_semaphore(%run_scoped3A : memref<!tpu.dma_semaphore, #tpu.memory_space<semaphore_mem>>)
      %dma_wait3A = arith.constant 0 : i32
      %dma_wait3A_35 = tpu.memref_slice %arg3[%add3A_12, %dma_wait3A] : memref<2587x128xi32, #tpu.memory_space<hbm>> -> memref<79x128xi32, #tpu.memory_space<hbm>>
      %dma_wait3A_36 = arith.constant 0 : i32
      %dma_wait3A_37 = tpu.memref_slice %arg3[%add3A_12, %dma_wait3A_36] : memref<2587x128xi32, #tpu.memory_space<hbm>> -> memref<79x128xi32, #tpu.memory_space<hbm>>
      tpu.wait_dma2 semaphore(%run_scoped3A : memref<!tpu.dma_semaphore, #tpu.memory_space<semaphore_mem>>) src(%dma_wait3A_37 : memref<79x128xi32, #tpu.memory_space<hbm>>) dst(%arg7 : memref<79x128xi32, #tpu.memory_space<vmem>>)
      tpu.yield
    }) : () -> ()
    "tpu.region"() ({
      %run_scoped3A = tpu.sem_alloc : memref<!tpu.dma_semaphore, #tpu.memory_space<semaphore_mem>>
      %dma_start3A = arith.constant 0 : i32
      %dma_start3A_32 = tpu.memref_slice %arg4[%add3A_12, %dma_start3A] : memref<2587x128xi32, #tpu.memory_space<hbm>> -> memref<79x128xi32, #tpu.memory_space<hbm>>
      %dma_start3A_33 = arith.constant 0 : i32
      %dma_start3A_34 = tpu.memref_slice %arg4[%add3A_12, %dma_start3A_33] : memref<2587x128xi32, #tpu.memory_space<hbm>> -> memref<79x128xi32, #tpu.memory_space<hbm>>
      tpu.enqueue_dma source(%dma_start3A_34 : memref<79x128xi32, #tpu.memory_space<hbm>>) target(%arg8 : memref<79x128xi32, #tpu.memory_space<vmem>>) target_semaphore(%run_scoped3A : memref<!tpu.dma_semaphore, #tpu.memory_space<semaphore_mem>>)
      %dma_wait3A = arith.constant 0 : i32
      %dma_wait3A_35 = tpu.memref_slice %arg4[%add3A_12, %dma_wait3A] : memref<2587x128xi32, #tpu.memory_space<hbm>> -> memref<79x128xi32, #tpu.memory_space<hbm>>
      %dma_wait3A_36 = arith.constant 0 : i32
      %dma_wait3A_37 = tpu.memref_slice %arg4[%add3A_12, %dma_wait3A_36] : memref<2587x128xi32, #tpu.memory_space<hbm>> -> memref<79x128xi32, #tpu.memory_space<hbm>>
      tpu.wait_dma2 semaphore(%run_scoped3A : memref<!tpu.dma_semaphore, #tpu.memory_space<semaphore_mem>>) src(%dma_wait3A_37 : memref<79x128xi32, #tpu.memory_space<hbm>>) dst(%arg8 : memref<79x128xi32, #tpu.memory_space<vmem>>)
      tpu.yield
    }) : () -> ()
    %barrier3A = arith.constant 0 : index
    tpu.barrier barrier_id(%barrier3A)
    %while3A = arith.constant 0 : i32
    %while3A_18 = arith.constant 0 : i32
    %while3A_19 = arith.subi %add3A_13, %while3A_18 : i32
    %while3A_20 = arith.addi %while3A_18, %while3A_19 : i32
    %while3A_21 = arith.constant 1 : i32
    %while3A_22 = arith.divsi %while3A_19, %while3A_21 : i32
    %while3A_23 = arith.muli %while3A_22, %while3A_21 : i32
    %while3A_24 = arith.addi %while3A_18, %while3A_23 : i32
    %while3A_25 = arith.constant 1 : i32
    scf.for %while3A_32 = %while3A_18 to %while3A_24 step %while3A_25  : i32 {
      %dma_start3A = arith.constant 0 : i32
      %dma_start3A_33 = tpu.memref_slice %arg7[%while3A_32, %dma_start3A] : memref<79x128xi32, #tpu.memory_space<vmem>> -> memref<1x128xi32, #tpu.memory_space<vmem>>
      %dma_start3A_34 = tpu.memref_squeeze %dma_start3A_33 : memref<1x128xi32, #tpu.memory_space<vmem>> -> memref<128xi32, #tpu.memory_space<vmem>>
      %dma_start3A_35 = arith.constant 0 : i32
      %dma_start3A_36 = arith.constant 0 : i32
      %dma_start3A_37 = tpu.memref_slice %arg2[%dma_start3A_35, %dma_start3A_36] : memref<10240x64xbf16, #tpu.memory_space<hbm>> -> memref<10240x64xbf16, #tpu.memory_space<hbm>>
      tpu.enqueue_indirect_dma source(%dma_start3A_37 : memref<10240x64xbf16, #tpu.memory_space<hbm>>) target(%arg9 : memref<128x64xbf16, #tpu.memory_space<vmem>>) offsets(%dma_start3A_34 : memref<128xi32, #tpu.memory_space<vmem>>) semaphore(%arg11 : memref<!tpu.dma_semaphore, #tpu.memory_space<semaphore_mem>>)
      %dma_wait3A = arith.constant 0 : i32
      %dma_wait3A_38 = tpu.memref_slice %arg7[%while3A_32, %dma_wait3A] : memref<79x128xi32, #tpu.memory_space<vmem>> -> memref<1x128xi32, #tpu.memory_space<vmem>>
      %dma_wait3A_39 = tpu.memref_squeeze %dma_wait3A_38 : memref<1x128xi32, #tpu.memory_space<vmem>> -> memref<128xi32, #tpu.memory_space<vmem>>
      %dma_wait3A_40 = arith.constant 0 : i32
      %dma_wait3A_41 = arith.constant 0 : i32
      %dma_wait3A_42 = tpu.memref_slice %arg2[%dma_wait3A_40, %dma_wait3A_41] : memref<10240x64xbf16, #tpu.memory_space<hbm>> -> memref<10240x64xbf16, #tpu.memory_space<hbm>>
      tpu.wait_indirect_dma semaphore(%arg11 : memref<!tpu.dma_semaphore, #tpu.memory_space<semaphore_mem>>) src(%dma_wait3A_42 : memref<10240x64xbf16, #tpu.memory_space<hbm>>) dst(%arg9 : memref<128x64xbf16, #tpu.memory_space<vmem>>)
      "tpu.region"() ({
        %run_scoped3A = tpu.sem_alloc : memref<!tpu.dma_semaphore, #tpu.memory_space<semaphore_mem>>
        %dma_start3A_43 = arith.constant 0 : i32
        %dma_start3A_44 = tpu.memref_slice %arg8[%while3A_32, %dma_start3A_43] : memref<79x128xi32, #tpu.memory_space<vmem>> -> memref<1x128xi32, #tpu.memory_space<vmem>>
        %dma_start3A_45 = tpu.memref_squeeze %dma_start3A_44 : memref<1x128xi32, #tpu.memory_space<vmem>> -> memref<128xi32, #tpu.memory_space<vmem>>
        %dma_start3A_46 = arith.constant 0 : i32
        %dma_start3A_47 = arith.constant 0 : i32
        %dma_start3A_48 = tpu.memref_slice %arg10[%dma_start3A_46, %dma_start3A_47] : memref<10240x64xbf16, #tpu.memory_space<vmem_shared>> -> memref<10240x64xbf16, #tpu.memory_space<vmem_shared>>
        tpu.enqueue_indirect_dma source(%arg9 : memref<128x64xbf16, #tpu.memory_space<vmem>>) target(%dma_start3A_48 : memref<10240x64xbf16, #tpu.memory_space<vmem_shared>>) offsets(%dma_start3A_45 : memref<128xi32, #tpu.memory_space<vmem>>) semaphore(%run_scoped3A : memref<!tpu.dma_semaphore, #tpu.memory_space<semaphore_mem>>) {add = true}
        %dma_wait3A_49 = arith.constant 0 : i32
        %dma_wait3A_50 = tpu.memref_slice %arg8[%while3A_32, %dma_wait3A_49] : memref<79x128xi32, #tpu.memory_space<vmem>> -> memref<1x128xi32, #tpu.memory_space<vmem>>
        %dma_wait3A_51 = tpu.memref_squeeze %dma_wait3A_50 : memref<1x128xi32, #tpu.memory_space<vmem>> -> memref<128xi32, #tpu.memory_space<vmem>>
        %dma_wait3A_52 = arith.constant 0 : i32
        %dma_wait3A_53 = arith.constant 0 : i32
        %dma_wait3A_54 = tpu.memref_slice %arg10[%dma_wait3A_52, %dma_wait3A_53] : memref<10240x64xbf16, #tpu.memory_space<vmem_shared>> -> memref<10240x64xbf16, #tpu.memory_space<vmem_shared>>
        tpu.wait_indirect_dma semaphore(%run_scoped3A : memref<!tpu.dma_semaphore, #tpu.memory_space<semaphore_mem>>) src(%arg9 : memref<128x64xbf16, #tpu.memory_space<vmem>>) dst(%dma_wait3A_54 : memref<10240x64xbf16, #tpu.memory_space<vmem_shared>>)
        tpu.yield
      }) : () -> ()
    }
    %while3A_26 = arith.constant 1 : i32
    scf.for %while3A_32 = %while3A_24 to %while3A_20 step %while3A_26  : i32 {
      %dma_start3A = arith.constant 0 : i32
      %dma_start3A_33 = tpu.memref_slice %arg7[%while3A_32, %dma_start3A] : memref<79x128xi32, #tpu.memory_space<vmem>> -> memref<1x128xi32, #tpu.memory_space<vmem>>
      %dma_start3A_34 = tpu.memref_squeeze %dma_start3A_33 : memref<1x128xi32, #tpu.memory_space<vmem>> -> memref<128xi32, #tpu.memory_space<vmem>>
      %dma_start3A_35 = arith.constant 0 : i32
      %dma_start3A_36 = arith.constant 0 : i32
      %dma_start3A_37 = tpu.memref_slice %arg2[%dma_start3A_35, %dma_start3A_36] : memref<10240x64xbf16, #tpu.memory_space<hbm>> -> memref<10240x64xbf16, #tpu.memory_space<hbm>>
      tpu.enqueue_indirect_dma source(%dma_start3A_37 : memref<10240x64xbf16, #tpu.memory_space<hbm>>) target(%arg9 : memref<128x64xbf16, #tpu.memory_space<vmem>>) offsets(%dma_start3A_34 : memref<128xi32, #tpu.memory_space<vmem>>) semaphore(%arg11 : memref<!tpu.dma_semaphore, #tpu.memory_space<semaphore_mem>>)
      %dma_wait3A = arith.constant 0 : i32
      %dma_wait3A_38 = tpu.memref_slice %arg7[%while3A_32, %dma_wait3A] : memref<79x128xi32, #tpu.memory_space<vmem>> -> memref<1x128xi32, #tpu.memory_space<vmem>>
      %dma_wait3A_39 = tpu.memref_squeeze %dma_wait3A_38 : memref<1x128xi32, #tpu.memory_space<vmem>> -> memref<128xi32, #tpu.memory_space<vmem>>
      %dma_wait3A_40 = arith.constant 0 : i32
      %dma_wait3A_41 = arith.constant 0 : i32
      %dma_wait3A_42 = tpu.memref_slice %arg2[%dma_wait3A_40, %dma_wait3A_41] : memref<10240x64xbf16, #tpu.memory_space<hbm>> -> memref<10240x64xbf16, #tpu.memory_space<hbm>>
      tpu.wait_indirect_dma semaphore(%arg11 : memref<!tpu.dma_semaphore, #tpu.memory_space<semaphore_mem>>) src(%dma_wait3A_42 : memref<10240x64xbf16, #tpu.memory_space<hbm>>) dst(%arg9 : memref<128x64xbf16, #tpu.memory_space<vmem>>)
      "tpu.region"() ({
        %run_scoped3A = tpu.sem_alloc : memref<!tpu.dma_semaphore, #tpu.memory_space<semaphore_mem>>
        %dma_start3A_43 = arith.constant 0 : i32
        %dma_start3A_44 = tpu.memref_slice %arg8[%while3A_32, %dma_start3A_43] : memref<79x128xi32, #tpu.memory_space<vmem>> -> memref<1x128xi32, #tpu.memory_space<vmem>>
        %dma_start3A_45 = tpu.memref_squeeze %dma_start3A_44 : memref<1x128xi32, #tpu.memory_space<vmem>> -> memref<128xi32, #tpu.memory_space<vmem>>
        %dma_start3A_46 = arith.constant 0 : i32
        %dma_start3A_47 = arith.constant 0 : i32
        %dma_start3A_48 = tpu.memref_slice %arg10[%dma_start3A_46, %dma_start3A_47] : memref<10240x64xbf16, #tpu.memory_space<vmem_shared>> -> memref<10240x64xbf16, #tpu.memory_space<vmem_shared>>
        tpu.enqueue_indirect_dma source(%arg9 : memref<128x64xbf16, #tpu.memory_space<vmem>>) target(%dma_start3A_48 : memref<10240x64xbf16, #tpu.memory_space<vmem_shared>>) offsets(%dma_start3A_45 : memref<128xi32, #tpu.memory_space<vmem>>) semaphore(%run_scoped3A : memref<!tpu.dma_semaphore, #tpu.memory_space<semaphore_mem>>) {add = true}
        %dma_wait3A_49 = arith.constant 0 : i32
        %dma_wait3A_50 = tpu.memref_slice %arg8[%while3A_32, %dma_wait3A_49] : memref<79x128xi32, #tpu.memory_space<vmem>> -> memref<1x128xi32, #tpu.memory_space<vmem>>
        %dma_wait3A_51 = tpu.memref_squeeze %dma_wait3A_50 : memref<1x128xi32, #tpu.memory_space<vmem>> -> memref<128xi32, #tpu.memory_space<vmem>>
        %dma_wait3A_52 = arith.constant 0 : i32
        %dma_wait3A_53 = arith.constant 0 : i32
        %dma_wait3A_54 = tpu.memref_slice %arg10[%dma_wait3A_52, %dma_wait3A_53] : memref<10240x64xbf16, #tpu.memory_space<vmem_shared>> -> memref<10240x64xbf16, #tpu.memory_space<vmem_shared>>
        tpu.wait_indirect_dma semaphore(%run_scoped3A : memref<!tpu.dma_semaphore, #tpu.memory_space<semaphore_mem>>) src(%arg9 : memref<128x64xbf16, #tpu.memory_space<vmem>>) dst(%dma_wait3A_54 : memref<10240x64xbf16, #tpu.memory_space<vmem_shared>>)
        tpu.yield
      }) : () -> ()
    }
    %barrier3A_27 = arith.constant 0 : index
    tpu.barrier barrier_id(%barrier3A_27)
    %mul3A_28 = arith.constant 640 : i32
    %mul3A_29 = arith.muli %arg1, %mul3A_28 : i32
    %mul3A_30 = arith.constant 640 : i32
    %mul3A_31 = arith.muli %arg1, %mul3A_30 : i32
    "tpu.region"() ({
      %run_scoped3A = tpu.sem_alloc : memref<!tpu.dma_semaphore, #tpu.memory_space<semaphore_mem>>
      %dma_start3A = arith.constant 0 : i32
      %dma_start3A_32 = tpu.memref_slice %arg6[%arg0, %mul3A_31, %dma_start3A] : memref<2x10240x64xbf16, #tpu.memory_space<hbm>> -> memref<1x640x64xbf16, #tpu.memory_space<hbm>>
      %dma_start3A_33 = tpu.memref_squeeze %dma_start3A_32 : memref<1x640x64xbf16, #tpu.memory_space<hbm>> -> memref<640x64xbf16, #tpu.memory_space<hbm>>
      %dma_start3A_34 = arith.constant 0 : i32
      %dma_start3A_35 = tpu.memref_slice %arg10[%mul3A_29, %dma_start3A_34] : memref<10240x64xbf16, #tpu.memory_space<vmem_shared>> -> memref<640x64xbf16, #tpu.memory_space<vmem_shared>>
      tpu.enqueue_dma source(%dma_start3A_35 : memref<640x64xbf16, #tpu.memory_space<vmem_shared>>) target(%dma_start3A_33 : memref<640x64xbf16, #tpu.memory_space<hbm>>) target_semaphore(%run_scoped3A : memref<!tpu.dma_semaphore, #tpu.memory_space<semaphore_mem>>)
      %dma_wait3A = arith.constant 0 : i32
      %dma_wait3A_36 = tpu.memref_slice %arg6[%arg0, %mul3A_31, %dma_wait3A] : memref<2x10240x64xbf16, #tpu.memory_space<hbm>> -> memref<1x640x64xbf16, #tpu.memory_space<hbm>>
      %dma_wait3A_37 = tpu.memref_squeeze %dma_wait3A_36 : memref<1x640x64xbf16, #tpu.memory_space<hbm>> -> memref<640x64xbf16, #tpu.memory_space<hbm>>
      %dma_wait3A_38 = arith.constant 0 : i32
      %dma_wait3A_39 = tpu.memref_slice %arg10[%mul3A_29, %dma_wait3A_38] : memref<10240x64xbf16, #tpu.memory_space<vmem_shared>> -> memref<640x64xbf16, #tpu.memory_space<vmem_shared>>
      tpu.wait_dma2 semaphore(%run_scoped3A : memref<!tpu.dma_semaphore, #tpu.memory_space<semaphore_mem>>) src(%dma_wait3A_39 : memref<640x64xbf16, #tpu.memory_space<vmem_shared>>) dst(%dma_wait3A_37 : memref<640x64xbf16, #tpu.memory_space<hbm>>)
      tpu.yield
    }) : () -> ()
    return
  }
}

#map = affine_map<(d0, d1) -> (0, 0)>
#map1 = affine_map<(d0, d1) -> (0, 0, 0)>
module attributes {stable_mosaic.version = 14 : i64} {
  func.func @_agg_body(%arg0: i32, %arg1: i32, %arg2: memref<10240x64xbf16, #tpu.memory_space<hbm>>, %arg3: memref<2587x128xi32, #tpu.memory_space<hbm>>, %arg4: memref<2587x128xi32, #tpu.memory_space<hbm>>, %arg5: memref<10240x64xbf16, #tpu.memory_space<hbm>>, %arg6: memref<2x10240x64xbf16, #tpu.memory_space<hbm>>, %arg7: memref<79x128xi32, #tpu.memory_space<vmem>>, %arg8: memref<79x128xi32, #tpu.memory_space<vmem>>, %arg9: memref<128x64xbf16, #tpu.memory_space<vmem>>, %arg10: memref<10240x64xbf16, #tpu.memory_space<vmem_shared>>, %arg11: memref<!tpu.dma_semaphore, #tpu.memory_space<semaphore_mem>>) attributes {dimension_semantics = [#tpu.dimension_semantics<core_parallel>, #tpu.dimension_semantics<subcore_parallel>], iteration_bounds = array<i64: 2, 16>, scalar_prefetch = 0 : i64, scratch_operands = 5 : i64, tpu.core_type = #tpu.core_type<sc_vector_subcore>, window_params = [{transform_indices = #map}, {transform_indices = #map}, {transform_indices = #map}, {transform_indices = #map}, {transform_indices = #map1}]} {
    %eq3A = arith.constant 0 : i32
    %eq3A_0 = arith.cmpi eq, %arg0, %eq3A : i32
    %jit3A = arith.constant 78 : i32
    %jit3A_1 = arith.constant 78 : i32
    %select_n3A = arith.select %eq3A_0, %jit3A, %jit3A_1 : i32
    %eq3A_2 = arith.constant 0 : i32
    %eq3A_3 = arith.cmpi eq, %arg0, %eq3A_2 : i32
    %jit3A_4 = arith.constant 2 : i32
    %jit3A_5 = arith.constant 2 : i32
    %select_n3A_6 = arith.select %eq3A_3, %jit3A_4, %jit3A_5 : i32
    %eq3A_7 = arith.constant 0 : i32
    %eq3A_8 = arith.cmpi eq, %arg0, %eq3A_7 : i32
    %jit3A_9 = arith.constant 0 : i32
    %jit3A_10 = arith.constant 1250 : i32
    %select_n3A_11 = arith.select %eq3A_8, %jit3A_9, %jit3A_10 : i32
    %mul3A = arith.muli %arg1, %select_n3A : i32
    %add3A = arith.addi %select_n3A_11, %mul3A : i32
    %min3A = arith.minsi %arg1, %select_n3A_6 : i32
    %add3A_12 = arith.addi %add3A, %min3A : i32
    %lt3A = arith.cmpi slt, %arg1, %select_n3A_6 : i32
    %convert_element_type3A = arith.extui %lt3A : i1 to i32
    %add3A_13 = arith.addi %select_n3A, %convert_element_type3A : i32
    %mul3A_14 = arith.constant 640 : i32
    %mul3A_15 = arith.muli %arg1, %mul3A_14 : i32
    %mul3A_16 = arith.constant 640 : i32
    %mul3A_17 = arith.muli %arg1, %mul3A_16 : i32
    "tpu.region"() ({
      %run_scoped3A = tpu.sem_alloc : memref<!tpu.dma_semaphore, #tpu.memory_space<semaphore_mem>>
      %dma_start3A = arith.constant 0 : i32
      %dma_start3A_32 = tpu.memref_slice %arg10[%mul3A_17, %dma_start3A] : memref<10240x64xbf16, #tpu.memory_space<vmem_shared>> -> memref<640x64xbf16, #tpu.memory_space<vmem_shared>>
      %dma_start3A_33 = arith.constant 0 : i32
      %dma_start3A_34 = tpu.memref_slice %arg5[%mul3A_15, %dma_start3A_33] : memref<10240x64xbf16, #tpu.memory_space<hbm>> -> memref<640x64xbf16, #tpu.memory_space<hbm>>
      tpu.enqueue_dma source(%dma_start3A_34 : memref<640x64xbf16, #tpu.memory_space<hbm>>) target(%dma_start3A_32 : memref<640x64xbf16, #tpu.memory_space<vmem_shared>>) target_semaphore(%run_scoped3A : memref<!tpu.dma_semaphore, #tpu.memory_space<semaphore_mem>>)
      %dma_wait3A = arith.constant 0 : i32
      %dma_wait3A_35 = tpu.memref_slice %arg10[%mul3A_17, %dma_wait3A] : memref<10240x64xbf16, #tpu.memory_space<vmem_shared>> -> memref<640x64xbf16, #tpu.memory_space<vmem_shared>>
      %dma_wait3A_36 = arith.constant 0 : i32
      %dma_wait3A_37 = tpu.memref_slice %arg5[%mul3A_15, %dma_wait3A_36] : memref<10240x64xbf16, #tpu.memory_space<hbm>> -> memref<640x64xbf16, #tpu.memory_space<hbm>>
      tpu.wait_dma2 semaphore(%run_scoped3A : memref<!tpu.dma_semaphore, #tpu.memory_space<semaphore_mem>>) src(%dma_wait3A_37 : memref<640x64xbf16, #tpu.memory_space<hbm>>) dst(%dma_wait3A_35 : memref<640x64xbf16, #tpu.memory_space<vmem_shared>>)
      tpu.yield
    }) : () -> ()
    "tpu.region"() ({
      %run_scoped3A = tpu.sem_alloc : memref<!tpu.dma_semaphore, #tpu.memory_space<semaphore_mem>>
      %dma_start3A = arith.constant 0 : i32
      %dma_start3A_32 = tpu.memref_slice %arg3[%add3A_12, %dma_start3A] : memref<2587x128xi32, #tpu.memory_space<hbm>> -> memref<79x128xi32, #tpu.memory_space<hbm>>
      %dma_start3A_33 = arith.constant 0 : i32
      %dma_start3A_34 = tpu.memref_slice %arg3[%add3A_12, %dma_start3A_33] : memref<2587x128xi32, #tpu.memory_space<hbm>> -> memref<79x128xi32, #tpu.memory_space<hbm>>
      tpu.enqueue_dma source(%dma_start3A_34 : memref<79x128xi32, #tpu.memory_space<hbm>>) target(%arg7 : memref<79x128xi32, #tpu.memory_space<vmem>>) target_semaphore(%run_scoped3A : memref<!tpu.dma_semaphore, #tpu.memory_space<semaphore_mem>>)
      %dma_wait3A = arith.constant 0 : i32
      %dma_wait3A_35 = tpu.memref_slice %arg3[%add3A_12, %dma_wait3A] : memref<2587x128xi32, #tpu.memory_space<hbm>> -> memref<79x128xi32, #tpu.memory_space<hbm>>
      %dma_wait3A_36 = arith.constant 0 : i32
      %dma_wait3A_37 = tpu.memref_slice %arg3[%add3A_12, %dma_wait3A_36] : memref<2587x128xi32, #tpu.memory_space<hbm>> -> memref<79x128xi32, #tpu.memory_space<hbm>>
      tpu.wait_dma2 semaphore(%run_scoped3A : memref<!tpu.dma_semaphore, #tpu.memory_space<semaphore_mem>>) src(%dma_wait3A_37 : memref<79x128xi32, #tpu.memory_space<hbm>>) dst(%arg7 : memref<79x128xi32, #tpu.memory_space<vmem>>)
      tpu.yield
    }) : () -> ()
    "tpu.region"() ({
      %run_scoped3A = tpu.sem_alloc : memref<!tpu.dma_semaphore, #tpu.memory_space<semaphore_mem>>
      %dma_start3A = arith.constant 0 : i32
      %dma_start3A_32 = tpu.memref_slice %arg4[%add3A_12, %dma_start3A] : memref<2587x128xi32, #tpu.memory_space<hbm>> -> memref<79x128xi32, #tpu.memory_space<hbm>>
      %dma_start3A_33 = arith.constant 0 : i32
      %dma_start3A_34 = tpu.memref_slice %arg4[%add3A_12, %dma_start3A_33] : memref<2587x128xi32, #tpu.memory_space<hbm>> -> memref<79x128xi32, #tpu.memory_space<hbm>>
      tpu.enqueue_dma source(%dma_start3A_34 : memref<79x128xi32, #tpu.memory_space<hbm>>) target(%arg8 : memref<79x128xi32, #tpu.memory_space<vmem>>) target_semaphore(%run_scoped3A : memref<!tpu.dma_semaphore, #tpu.memory_space<semaphore_mem>>)
      %dma_wait3A = arith.constant 0 : i32
      %dma_wait3A_35 = tpu.memref_slice %arg4[%add3A_12, %dma_wait3A] : memref<2587x128xi32, #tpu.memory_space<hbm>> -> memref<79x128xi32, #tpu.memory_space<hbm>>
      %dma_wait3A_36 = arith.constant 0 : i32
      %dma_wait3A_37 = tpu.memref_slice %arg4[%add3A_12, %dma_wait3A_36] : memref<2587x128xi32, #tpu.memory_space<hbm>> -> memref<79x128xi32, #tpu.memory_space<hbm>>
      tpu.wait_dma2 semaphore(%run_scoped3A : memref<!tpu.dma_semaphore, #tpu.memory_space<semaphore_mem>>) src(%dma_wait3A_37 : memref<79x128xi32, #tpu.memory_space<hbm>>) dst(%arg8 : memref<79x128xi32, #tpu.memory_space<vmem>>)
      tpu.yield
    }) : () -> ()
    %barrier3A = arith.constant 0 : index
    tpu.barrier barrier_id(%barrier3A)
    %while3A = arith.constant 0 : i32
    %while3A_18 = arith.constant 0 : i32
    %while3A_19 = arith.subi %add3A_13, %while3A_18 : i32
    %while3A_20 = arith.addi %while3A_18, %while3A_19 : i32
    %while3A_21 = arith.constant 1 : i32
    %while3A_22 = arith.divsi %while3A_19, %while3A_21 : i32
    %while3A_23 = arith.muli %while3A_22, %while3A_21 : i32
    %while3A_24 = arith.addi %while3A_18, %while3A_23 : i32
    %while3A_25 = arith.constant 1 : i32
    scf.for %while3A_32 = %while3A_18 to %while3A_24 step %while3A_25  : i32 {
      %dma_start3A = arith.constant 0 : i32
      %dma_start3A_33 = tpu.memref_slice %arg7[%while3A_32, %dma_start3A] : memref<79x128xi32, #tpu.memory_space<vmem>> -> memref<1x128xi32, #tpu.memory_space<vmem>>
      %dma_start3A_34 = tpu.memref_squeeze %dma_start3A_33 : memref<1x128xi32, #tpu.memory_space<vmem>> -> memref<128xi32, #tpu.memory_space<vmem>>
      %dma_start3A_35 = arith.constant 0 : i32
      %dma_start3A_36 = arith.constant 0 : i32
      %dma_start3A_37 = tpu.memref_slice %arg2[%dma_start3A_35, %dma_start3A_36] : memref<10240x64xbf16, #tpu.memory_space<hbm>> -> memref<10240x64xbf16, #tpu.memory_space<hbm>>
      tpu.enqueue_indirect_dma source(%dma_start3A_37 : memref<10240x64xbf16, #tpu.memory_space<hbm>>) target(%arg9 : memref<128x64xbf16, #tpu.memory_space<vmem>>) offsets(%dma_start3A_34 : memref<128xi32, #tpu.memory_space<vmem>>) semaphore(%arg11 : memref<!tpu.dma_semaphore, #tpu.memory_space<semaphore_mem>>)
      %dma_wait3A = arith.constant 0 : i32
      %dma_wait3A_38 = tpu.memref_slice %arg7[%while3A_32, %dma_wait3A] : memref<79x128xi32, #tpu.memory_space<vmem>> -> memref<1x128xi32, #tpu.memory_space<vmem>>
      %dma_wait3A_39 = tpu.memref_squeeze %dma_wait3A_38 : memref<1x128xi32, #tpu.memory_space<vmem>> -> memref<128xi32, #tpu.memory_space<vmem>>
      %dma_wait3A_40 = arith.constant 0 : i32
      %dma_wait3A_41 = arith.constant 0 : i32
      %dma_wait3A_42 = tpu.memref_slice %arg2[%dma_wait3A_40, %dma_wait3A_41] : memref<10240x64xbf16, #tpu.memory_space<hbm>> -> memref<10240x64xbf16, #tpu.memory_space<hbm>>
      tpu.wait_indirect_dma semaphore(%arg11 : memref<!tpu.dma_semaphore, #tpu.memory_space<semaphore_mem>>) src(%dma_wait3A_42 : memref<10240x64xbf16, #tpu.memory_space<hbm>>) dst(%arg9 : memref<128x64xbf16, #tpu.memory_space<vmem>>)
      "tpu.region"() ({
        %run_scoped3A = tpu.sem_alloc : memref<!tpu.dma_semaphore, #tpu.memory_space<semaphore_mem>>
        %dma_start3A_43 = arith.constant 0 : i32
        %dma_start3A_44 = tpu.memref_slice %arg8[%while3A_32, %dma_start3A_43] : memref<79x128xi32, #tpu.memory_space<vmem>> -> memref<1x128xi32, #tpu.memory_space<vmem>>
        %dma_start3A_45 = tpu.memref_squeeze %dma_start3A_44 : memref<1x128xi32, #tpu.memory_space<vmem>> -> memref<128xi32, #tpu.memory_space<vmem>>
        %dma_start3A_46 = arith.constant 0 : i32
        %dma_start3A_47 = arith.constant 0 : i32
        %dma_start3A_48 = tpu.memref_slice %arg10[%dma_start3A_46, %dma_start3A_47] : memref<10240x64xbf16, #tpu.memory_space<vmem_shared>> -> memref<10240x64xbf16, #tpu.memory_space<vmem_shared>>
        tpu.enqueue_indirect_dma source(%arg9 : memref<128x64xbf16, #tpu.memory_space<vmem>>) target(%dma_start3A_48 : memref<10240x64xbf16, #tpu.memory_space<vmem_shared>>) offsets(%dma_start3A_45 : memref<128xi32, #tpu.memory_space<vmem>>) semaphore(%run_scoped3A : memref<!tpu.dma_semaphore, #tpu.memory_space<semaphore_mem>>) {add = true}
        %dma_wait3A_49 = arith.constant 0 : i32
        %dma_wait3A_50 = tpu.memref_slice %arg8[%while3A_32, %dma_wait3A_49] : memref<79x128xi32, #tpu.memory_space<vmem>> -> memref<1x128xi32, #tpu.memory_space<vmem>>
        %dma_wait3A_51 = tpu.memref_squeeze %dma_wait3A_50 : memref<1x128xi32, #tpu.memory_space<vmem>> -> memref<128xi32, #tpu.memory_space<vmem>>
        %dma_wait3A_52 = arith.constant 0 : i32
        %dma_wait3A_53 = arith.constant 0 : i32
        %dma_wait3A_54 = tpu.memref_slice %arg10[%dma_wait3A_52, %dma_wait3A_53] : memref<10240x64xbf16, #tpu.memory_space<vmem_shared>> -> memref<10240x64xbf16, #tpu.memory_space<vmem_shared>>
        tpu.wait_indirect_dma semaphore(%run_scoped3A : memref<!tpu.dma_semaphore, #tpu.memory_space<semaphore_mem>>) src(%arg9 : memref<128x64xbf16, #tpu.memory_space<vmem>>) dst(%dma_wait3A_54 : memref<10240x64xbf16, #tpu.memory_space<vmem_shared>>)
        tpu.yield
      }) : () -> ()
    }
    %while3A_26 = arith.constant 1 : i32
    scf.for %while3A_32 = %while3A_24 to %while3A_20 step %while3A_26  : i32 {
      %dma_start3A = arith.constant 0 : i32
      %dma_start3A_33 = tpu.memref_slice %arg7[%while3A_32, %dma_start3A] : memref<79x128xi32, #tpu.memory_space<vmem>> -> memref<1x128xi32, #tpu.memory_space<vmem>>
      %dma_start3A_34 = tpu.memref_squeeze %dma_start3A_33 : memref<1x128xi32, #tpu.memory_space<vmem>> -> memref<128xi32, #tpu.memory_space<vmem>>
      %dma_start3A_35 = arith.constant 0 : i32
      %dma_start3A_36 = arith.constant 0 : i32
      %dma_start3A_37 = tpu.memref_slice %arg2[%dma_start3A_35, %dma_start3A_36] : memref<10240x64xbf16, #tpu.memory_space<hbm>> -> memref<10240x64xbf16, #tpu.memory_space<hbm>>
      tpu.enqueue_indirect_dma source(%dma_start3A_37 : memref<10240x64xbf16, #tpu.memory_space<hbm>>) target(%arg9 : memref<128x64xbf16, #tpu.memory_space<vmem>>) offsets(%dma_start3A_34 : memref<128xi32, #tpu.memory_space<vmem>>) semaphore(%arg11 : memref<!tpu.dma_semaphore, #tpu.memory_space<semaphore_mem>>)
      %dma_wait3A = arith.constant 0 : i32
      %dma_wait3A_38 = tpu.memref_slice %arg7[%while3A_32, %dma_wait3A] : memref<79x128xi32, #tpu.memory_space<vmem>> -> memref<1x128xi32, #tpu.memory_space<vmem>>
      %dma_wait3A_39 = tpu.memref_squeeze %dma_wait3A_38 : memref<1x128xi32, #tpu.memory_space<vmem>> -> memref<128xi32, #tpu.memory_space<vmem>>
      %dma_wait3A_40 = arith.constant 0 : i32
      %dma_wait3A_41 = arith.constant 0 : i32
      %dma_wait3A_42 = tpu.memref_slice %arg2[%dma_wait3A_40, %dma_wait3A_41] : memref<10240x64xbf16, #tpu.memory_space<hbm>> -> memref<10240x64xbf16, #tpu.memory_space<hbm>>
      tpu.wait_indirect_dma semaphore(%arg11 : memref<!tpu.dma_semaphore, #tpu.memory_space<semaphore_mem>>) src(%dma_wait3A_42 : memref<10240x64xbf16, #tpu.memory_space<hbm>>) dst(%arg9 : memref<128x64xbf16, #tpu.memory_space<vmem>>)
      "tpu.region"() ({
        %run_scoped3A = tpu.sem_alloc : memref<!tpu.dma_semaphore, #tpu.memory_space<semaphore_mem>>
        %dma_start3A_43 = arith.constant 0 : i32
        %dma_start3A_44 = tpu.memref_slice %arg8[%while3A_32, %dma_start3A_43] : memref<79x128xi32, #tpu.memory_space<vmem>> -> memref<1x128xi32, #tpu.memory_space<vmem>>
        %dma_start3A_45 = tpu.memref_squeeze %dma_start3A_44 : memref<1x128xi32, #tpu.memory_space<vmem>> -> memref<128xi32, #tpu.memory_space<vmem>>
        %dma_start3A_46 = arith.constant 0 : i32
        %dma_start3A_47 = arith.constant 0 : i32
        %dma_start3A_48 = tpu.memref_slice %arg10[%dma_start3A_46, %dma_start3A_47] : memref<10240x64xbf16, #tpu.memory_space<vmem_shared>> -> memref<10240x64xbf16, #tpu.memory_space<vmem_shared>>
        tpu.enqueue_indirect_dma source(%arg9 : memref<128x64xbf16, #tpu.memory_space<vmem>>) target(%dma_start3A_48 : memref<10240x64xbf16, #tpu.memory_space<vmem_shared>>) offsets(%dma_start3A_45 : memref<128xi32, #tpu.memory_space<vmem>>) semaphore(%run_scoped3A : memref<!tpu.dma_semaphore, #tpu.memory_space<semaphore_mem>>) {add = true}
        %dma_wait3A_49 = arith.constant 0 : i32
        %dma_wait3A_50 = tpu.memref_slice %arg8[%while3A_32, %dma_wait3A_49] : memref<79x128xi32, #tpu.memory_space<vmem>> -> memref<1x128xi32, #tpu.memory_space<vmem>>
        %dma_wait3A_51 = tpu.memref_squeeze %dma_wait3A_50 : memref<1x128xi32, #tpu.memory_space<vmem>> -> memref<128xi32, #tpu.memory_space<vmem>>
        %dma_wait3A_52 = arith.constant 0 : i32
        %dma_wait3A_53 = arith.constant 0 : i32
        %dma_wait3A_54 = tpu.memref_slice %arg10[%dma_wait3A_52, %dma_wait3A_53] : memref<10240x64xbf16, #tpu.memory_space<vmem_shared>> -> memref<10240x64xbf16, #tpu.memory_space<vmem_shared>>
        tpu.wait_indirect_dma semaphore(%run_scoped3A : memref<!tpu.dma_semaphore, #tpu.memory_space<semaphore_mem>>) src(%arg9 : memref<128x64xbf16, #tpu.memory_space<vmem>>) dst(%dma_wait3A_54 : memref<10240x64xbf16, #tpu.memory_space<vmem_shared>>)
        tpu.yield
      }) : () -> ()
    }
    %barrier3A_27 = arith.constant 0 : index
    tpu.barrier barrier_id(%barrier3A_27)
    %mul3A_28 = arith.constant 640 : i32
    %mul3A_29 = arith.muli %arg1, %mul3A_28 : i32
    %mul3A_30 = arith.constant 640 : i32
    %mul3A_31 = arith.muli %arg1, %mul3A_30 : i32
    "tpu.region"() ({
      %run_scoped3A = tpu.sem_alloc : memref<!tpu.dma_semaphore, #tpu.memory_space<semaphore_mem>>
      %dma_start3A = arith.constant 0 : i32
      %dma_start3A_32 = tpu.memref_slice %arg6[%arg0, %mul3A_31, %dma_start3A] : memref<2x10240x64xbf16, #tpu.memory_space<hbm>> -> memref<1x640x64xbf16, #tpu.memory_space<hbm>>
      %dma_start3A_33 = tpu.memref_squeeze %dma_start3A_32 : memref<1x640x64xbf16, #tpu.memory_space<hbm>> -> memref<640x64xbf16, #tpu.memory_space<hbm>>
      %dma_start3A_34 = arith.constant 0 : i32
      %dma_start3A_35 = tpu.memref_slice %arg10[%mul3A_29, %dma_start3A_34] : memref<10240x64xbf16, #tpu.memory_space<vmem_shared>> -> memref<640x64xbf16, #tpu.memory_space<vmem_shared>>
      tpu.enqueue_dma source(%dma_start3A_35 : memref<640x64xbf16, #tpu.memory_space<vmem_shared>>) target(%dma_start3A_33 : memref<640x64xbf16, #tpu.memory_space<hbm>>) target_semaphore(%run_scoped3A : memref<!tpu.dma_semaphore, #tpu.memory_space<semaphore_mem>>)
      %dma_wait3A = arith.constant 0 : i32
      %dma_wait3A_36 = tpu.memref_slice %arg6[%arg0, %mul3A_31, %dma_wait3A] : memref<2x10240x64xbf16, #tpu.memory_space<hbm>> -> memref<1x640x64xbf16, #tpu.memory_space<hbm>>
      %dma_wait3A_37 = tpu.memref_squeeze %dma_wait3A_36 : memref<1x640x64xbf16, #tpu.memory_space<hbm>> -> memref<640x64xbf16, #tpu.memory_space<hbm>>
      %dma_wait3A_38 = arith.constant 0 : i32
      %dma_wait3A_39 = tpu.memref_slice %arg10[%mul3A_29, %dma_wait3A_38] : memref<10240x64xbf16, #tpu.memory_space<vmem_shared>> -> memref<640x64xbf16, #tpu.memory_space<vmem_shared>>
      tpu.wait_dma2 semaphore(%run_scoped3A : memref<!tpu.dma_semaphore, #tpu.memory_space<semaphore_mem>>) src(%dma_wait3A_39 : memref<640x64xbf16, #tpu.memory_space<vmem_shared>>) dst(%dma_wait3A_37 : memref<640x64xbf16, #tpu.memory_space<hbm>>)
      tpu.yield
    }) : () -> ()
    return
  }
}

#map = affine_map<(d0, d1) -> (0, 0)>
#map1 = affine_map<(d0, d1) -> (0, 0, 0)>
module attributes {stable_mosaic.version = 14 : i64} {
  func.func @_agg_body(%arg0: i32, %arg1: i32, %arg2: memref<10240x64xbf16, #tpu.memory_space<hbm>>, %arg3: memref<2587x128xi32, #tpu.memory_space<hbm>>, %arg4: memref<2587x128xi32, #tpu.memory_space<hbm>>, %arg5: memref<10240x64xbf16, #tpu.memory_space<hbm>>, %arg6: memref<2x10240x64xbf16, #tpu.memory_space<hbm>>, %arg7: memref<79x128xi32, #tpu.memory_space<vmem>>, %arg8: memref<79x128xi32, #tpu.memory_space<vmem>>, %arg9: memref<128x64xbf16, #tpu.memory_space<vmem>>, %arg10: memref<10240x64xbf16, #tpu.memory_space<vmem_shared>>, %arg11: memref<!tpu.dma_semaphore, #tpu.memory_space<semaphore_mem>>) attributes {dimension_semantics = [#tpu.dimension_semantics<core_parallel>, #tpu.dimension_semantics<subcore_parallel>], iteration_bounds = array<i64: 2, 16>, scalar_prefetch = 0 : i64, scratch_operands = 5 : i64, tpu.core_type = #tpu.core_type<sc_vector_subcore>, window_params = [{transform_indices = #map}, {transform_indices = #map}, {transform_indices = #map}, {transform_indices = #map}, {transform_indices = #map1}]} {
    %eq3A = arith.constant 0 : i32
    %eq3A_0 = arith.cmpi eq, %arg0, %eq3A : i32
    %jit3A = arith.constant 78 : i32
    %jit3A_1 = arith.constant 78 : i32
    %select_n3A = arith.select %eq3A_0, %jit3A, %jit3A_1 : i32
    %eq3A_2 = arith.constant 0 : i32
    %eq3A_3 = arith.cmpi eq, %arg0, %eq3A_2 : i32
    %jit3A_4 = arith.constant 2 : i32
    %jit3A_5 = arith.constant 2 : i32
    %select_n3A_6 = arith.select %eq3A_3, %jit3A_4, %jit3A_5 : i32
    %eq3A_7 = arith.constant 0 : i32
    %eq3A_8 = arith.cmpi eq, %arg0, %eq3A_7 : i32
    %jit3A_9 = arith.constant 0 : i32
    %jit3A_10 = arith.constant 1250 : i32
    %select_n3A_11 = arith.select %eq3A_8, %jit3A_9, %jit3A_10 : i32
    %mul3A = arith.muli %arg1, %select_n3A : i32
    %add3A = arith.addi %select_n3A_11, %mul3A : i32
    %min3A = arith.minsi %arg1, %select_n3A_6 : i32
    %add3A_12 = arith.addi %add3A, %min3A : i32
    %lt3A = arith.cmpi slt, %arg1, %select_n3A_6 : i32
    %convert_element_type3A = arith.extui %lt3A : i1 to i32
    %add3A_13 = arith.addi %select_n3A, %convert_element_type3A : i32
    %mul3A_14 = arith.constant 640 : i32
    %mul3A_15 = arith.muli %arg1, %mul3A_14 : i32
    %mul3A_16 = arith.constant 640 : i32
    %mul3A_17 = arith.muli %arg1, %mul3A_16 : i32
    "tpu.region"() ({
      %run_scoped3A = tpu.sem_alloc : memref<!tpu.dma_semaphore, #tpu.memory_space<semaphore_mem>>
      %dma_start3A = arith.constant 0 : i32
      %dma_start3A_32 = tpu.memref_slice %arg10[%mul3A_17, %dma_start3A] : memref<10240x64xbf16, #tpu.memory_space<vmem_shared>> -> memref<640x64xbf16, #tpu.memory_space<vmem_shared>>
      %dma_start3A_33 = arith.constant 0 : i32
      %dma_start3A_34 = tpu.memref_slice %arg5[%mul3A_15, %dma_start3A_33] : memref<10240x64xbf16, #tpu.memory_space<hbm>> -> memref<640x64xbf16, #tpu.memory_space<hbm>>
      tpu.enqueue_dma source(%dma_start3A_34 : memref<640x64xbf16, #tpu.memory_space<hbm>>) target(%dma_start3A_32 : memref<640x64xbf16, #tpu.memory_space<vmem_shared>>) target_semaphore(%run_scoped3A : memref<!tpu.dma_semaphore, #tpu.memory_space<semaphore_mem>>)
      %dma_wait3A = arith.constant 0 : i32
      %dma_wait3A_35 = tpu.memref_slice %arg10[%mul3A_17, %dma_wait3A] : memref<10240x64xbf16, #tpu.memory_space<vmem_shared>> -> memref<640x64xbf16, #tpu.memory_space<vmem_shared>>
      %dma_wait3A_36 = arith.constant 0 : i32
      %dma_wait3A_37 = tpu.memref_slice %arg5[%mul3A_15, %dma_wait3A_36] : memref<10240x64xbf16, #tpu.memory_space<hbm>> -> memref<640x64xbf16, #tpu.memory_space<hbm>>
      tpu.wait_dma2 semaphore(%run_scoped3A : memref<!tpu.dma_semaphore, #tpu.memory_space<semaphore_mem>>) src(%dma_wait3A_37 : memref<640x64xbf16, #tpu.memory_space<hbm>>) dst(%dma_wait3A_35 : memref<640x64xbf16, #tpu.memory_space<vmem_shared>>)
      tpu.yield
    }) : () -> ()
    "tpu.region"() ({
      %run_scoped3A = tpu.sem_alloc : memref<!tpu.dma_semaphore, #tpu.memory_space<semaphore_mem>>
      %dma_start3A = arith.constant 0 : i32
      %dma_start3A_32 = tpu.memref_slice %arg3[%add3A_12, %dma_start3A] : memref<2587x128xi32, #tpu.memory_space<hbm>> -> memref<79x128xi32, #tpu.memory_space<hbm>>
      %dma_start3A_33 = arith.constant 0 : i32
      %dma_start3A_34 = tpu.memref_slice %arg3[%add3A_12, %dma_start3A_33] : memref<2587x128xi32, #tpu.memory_space<hbm>> -> memref<79x128xi32, #tpu.memory_space<hbm>>
      tpu.enqueue_dma source(%dma_start3A_34 : memref<79x128xi32, #tpu.memory_space<hbm>>) target(%arg7 : memref<79x128xi32, #tpu.memory_space<vmem>>) target_semaphore(%run_scoped3A : memref<!tpu.dma_semaphore, #tpu.memory_space<semaphore_mem>>)
      %dma_wait3A = arith.constant 0 : i32
      %dma_wait3A_35 = tpu.memref_slice %arg3[%add3A_12, %dma_wait3A] : memref<2587x128xi32, #tpu.memory_space<hbm>> -> memref<79x128xi32, #tpu.memory_space<hbm>>
      %dma_wait3A_36 = arith.constant 0 : i32
      %dma_wait3A_37 = tpu.memref_slice %arg3[%add3A_12, %dma_wait3A_36] : memref<2587x128xi32, #tpu.memory_space<hbm>> -> memref<79x128xi32, #tpu.memory_space<hbm>>
      tpu.wait_dma2 semaphore(%run_scoped3A : memref<!tpu.dma_semaphore, #tpu.memory_space<semaphore_mem>>) src(%dma_wait3A_37 : memref<79x128xi32, #tpu.memory_space<hbm>>) dst(%arg7 : memref<79x128xi32, #tpu.memory_space<vmem>>)
      tpu.yield
    }) : () -> ()
    "tpu.region"() ({
      %run_scoped3A = tpu.sem_alloc : memref<!tpu.dma_semaphore, #tpu.memory_space<semaphore_mem>>
      %dma_start3A = arith.constant 0 : i32
      %dma_start3A_32 = tpu.memref_slice %arg4[%add3A_12, %dma_start3A] : memref<2587x128xi32, #tpu.memory_space<hbm>> -> memref<79x128xi32, #tpu.memory_space<hbm>>
      %dma_start3A_33 = arith.constant 0 : i32
      %dma_start3A_34 = tpu.memref_slice %arg4[%add3A_12, %dma_start3A_33] : memref<2587x128xi32, #tpu.memory_space<hbm>> -> memref<79x128xi32, #tpu.memory_space<hbm>>
      tpu.enqueue_dma source(%dma_start3A_34 : memref<79x128xi32, #tpu.memory_space<hbm>>) target(%arg8 : memref<79x128xi32, #tpu.memory_space<vmem>>) target_semaphore(%run_scoped3A : memref<!tpu.dma_semaphore, #tpu.memory_space<semaphore_mem>>)
      %dma_wait3A = arith.constant 0 : i32
      %dma_wait3A_35 = tpu.memref_slice %arg4[%add3A_12, %dma_wait3A] : memref<2587x128xi32, #tpu.memory_space<hbm>> -> memref<79x128xi32, #tpu.memory_space<hbm>>
      %dma_wait3A_36 = arith.constant 0 : i32
      %dma_wait3A_37 = tpu.memref_slice %arg4[%add3A_12, %dma_wait3A_36] : memref<2587x128xi32, #tpu.memory_space<hbm>> -> memref<79x128xi32, #tpu.memory_space<hbm>>
      tpu.wait_dma2 semaphore(%run_scoped3A : memref<!tpu.dma_semaphore, #tpu.memory_space<semaphore_mem>>) src(%dma_wait3A_37 : memref<79x128xi32, #tpu.memory_space<hbm>>) dst(%arg8 : memref<79x128xi32, #tpu.memory_space<vmem>>)
      tpu.yield
    }) : () -> ()
    %barrier3A = arith.constant 0 : index
    tpu.barrier barrier_id(%barrier3A)
    %while3A = arith.constant 0 : i32
    %while3A_18 = arith.constant 0 : i32
    %while3A_19 = arith.subi %add3A_13, %while3A_18 : i32
    %while3A_20 = arith.addi %while3A_18, %while3A_19 : i32
    %while3A_21 = arith.constant 1 : i32
    %while3A_22 = arith.divsi %while3A_19, %while3A_21 : i32
    %while3A_23 = arith.muli %while3A_22, %while3A_21 : i32
    %while3A_24 = arith.addi %while3A_18, %while3A_23 : i32
    %while3A_25 = arith.constant 1 : i32
    scf.for %while3A_32 = %while3A_18 to %while3A_24 step %while3A_25  : i32 {
      %dma_start3A = arith.constant 0 : i32
      %dma_start3A_33 = tpu.memref_slice %arg7[%while3A_32, %dma_start3A] : memref<79x128xi32, #tpu.memory_space<vmem>> -> memref<1x128xi32, #tpu.memory_space<vmem>>
      %dma_start3A_34 = tpu.memref_squeeze %dma_start3A_33 : memref<1x128xi32, #tpu.memory_space<vmem>> -> memref<128xi32, #tpu.memory_space<vmem>>
      %dma_start3A_35 = arith.constant 0 : i32
      %dma_start3A_36 = arith.constant 0 : i32
      %dma_start3A_37 = tpu.memref_slice %arg2[%dma_start3A_35, %dma_start3A_36] : memref<10240x64xbf16, #tpu.memory_space<hbm>> -> memref<10240x64xbf16, #tpu.memory_space<hbm>>
      tpu.enqueue_indirect_dma source(%dma_start3A_37 : memref<10240x64xbf16, #tpu.memory_space<hbm>>) target(%arg9 : memref<128x64xbf16, #tpu.memory_space<vmem>>) offsets(%dma_start3A_34 : memref<128xi32, #tpu.memory_space<vmem>>) semaphore(%arg11 : memref<!tpu.dma_semaphore, #tpu.memory_space<semaphore_mem>>)
      %dma_wait3A = arith.constant 0 : i32
      %dma_wait3A_38 = tpu.memref_slice %arg7[%while3A_32, %dma_wait3A] : memref<79x128xi32, #tpu.memory_space<vmem>> -> memref<1x128xi32, #tpu.memory_space<vmem>>
      %dma_wait3A_39 = tpu.memref_squeeze %dma_wait3A_38 : memref<1x128xi32, #tpu.memory_space<vmem>> -> memref<128xi32, #tpu.memory_space<vmem>>
      %dma_wait3A_40 = arith.constant 0 : i32
      %dma_wait3A_41 = arith.constant 0 : i32
      %dma_wait3A_42 = tpu.memref_slice %arg2[%dma_wait3A_40, %dma_wait3A_41] : memref<10240x64xbf16, #tpu.memory_space<hbm>> -> memref<10240x64xbf16, #tpu.memory_space<hbm>>
      tpu.wait_indirect_dma semaphore(%arg11 : memref<!tpu.dma_semaphore, #tpu.memory_space<semaphore_mem>>) src(%dma_wait3A_42 : memref<10240x64xbf16, #tpu.memory_space<hbm>>) dst(%arg9 : memref<128x64xbf16, #tpu.memory_space<vmem>>)
      "tpu.region"() ({
        %run_scoped3A = tpu.sem_alloc : memref<!tpu.dma_semaphore, #tpu.memory_space<semaphore_mem>>
        %dma_start3A_43 = arith.constant 0 : i32
        %dma_start3A_44 = tpu.memref_slice %arg8[%while3A_32, %dma_start3A_43] : memref<79x128xi32, #tpu.memory_space<vmem>> -> memref<1x128xi32, #tpu.memory_space<vmem>>
        %dma_start3A_45 = tpu.memref_squeeze %dma_start3A_44 : memref<1x128xi32, #tpu.memory_space<vmem>> -> memref<128xi32, #tpu.memory_space<vmem>>
        %dma_start3A_46 = arith.constant 0 : i32
        %dma_start3A_47 = arith.constant 0 : i32
        %dma_start3A_48 = tpu.memref_slice %arg10[%dma_start3A_46, %dma_start3A_47] : memref<10240x64xbf16, #tpu.memory_space<vmem_shared>> -> memref<10240x64xbf16, #tpu.memory_space<vmem_shared>>
        tpu.enqueue_indirect_dma source(%arg9 : memref<128x64xbf16, #tpu.memory_space<vmem>>) target(%dma_start3A_48 : memref<10240x64xbf16, #tpu.memory_space<vmem_shared>>) offsets(%dma_start3A_45 : memref<128xi32, #tpu.memory_space<vmem>>) semaphore(%run_scoped3A : memref<!tpu.dma_semaphore, #tpu.memory_space<semaphore_mem>>) {add = true}
        %dma_wait3A_49 = arith.constant 0 : i32
        %dma_wait3A_50 = tpu.memref_slice %arg8[%while3A_32, %dma_wait3A_49] : memref<79x128xi32, #tpu.memory_space<vmem>> -> memref<1x128xi32, #tpu.memory_space<vmem>>
        %dma_wait3A_51 = tpu.memref_squeeze %dma_wait3A_50 : memref<1x128xi32, #tpu.memory_space<vmem>> -> memref<128xi32, #tpu.memory_space<vmem>>
        %dma_wait3A_52 = arith.constant 0 : i32
        %dma_wait3A_53 = arith.constant 0 : i32
        %dma_wait3A_54 = tpu.memref_slice %arg10[%dma_wait3A_52, %dma_wait3A_53] : memref<10240x64xbf16, #tpu.memory_space<vmem_shared>> -> memref<10240x64xbf16, #tpu.memory_space<vmem_shared>>
        tpu.wait_indirect_dma semaphore(%run_scoped3A : memref<!tpu.dma_semaphore, #tpu.memory_space<semaphore_mem>>) src(%arg9 : memref<128x64xbf16, #tpu.memory_space<vmem>>) dst(%dma_wait3A_54 : memref<10240x64xbf16, #tpu.memory_space<vmem_shared>>)
        tpu.yield
      }) : () -> ()
    }
    %while3A_26 = arith.constant 1 : i32
    scf.for %while3A_32 = %while3A_24 to %while3A_20 step %while3A_26  : i32 {
      %dma_start3A = arith.constant 0 : i32
      %dma_start3A_33 = tpu.memref_slice %arg7[%while3A_32, %dma_start3A] : memref<79x128xi32, #tpu.memory_space<vmem>> -> memref<1x128xi32, #tpu.memory_space<vmem>>
      %dma_start3A_34 = tpu.memref_squeeze %dma_start3A_33 : memref<1x128xi32, #tpu.memory_space<vmem>> -> memref<128xi32, #tpu.memory_space<vmem>>
      %dma_start3A_35 = arith.constant 0 : i32
      %dma_start3A_36 = arith.constant 0 : i32
      %dma_start3A_37 = tpu.memref_slice %arg2[%dma_start3A_35, %dma_start3A_36] : memref<10240x64xbf16, #tpu.memory_space<hbm>> -> memref<10240x64xbf16, #tpu.memory_space<hbm>>
      tpu.enqueue_indirect_dma source(%dma_start3A_37 : memref<10240x64xbf16, #tpu.memory_space<hbm>>) target(%arg9 : memref<128x64xbf16, #tpu.memory_space<vmem>>) offsets(%dma_start3A_34 : memref<128xi32, #tpu.memory_space<vmem>>) semaphore(%arg11 : memref<!tpu.dma_semaphore, #tpu.memory_space<semaphore_mem>>)
      %dma_wait3A = arith.constant 0 : i32
      %dma_wait3A_38 = tpu.memref_slice %arg7[%while3A_32, %dma_wait3A] : memref<79x128xi32, #tpu.memory_space<vmem>> -> memref<1x128xi32, #tpu.memory_space<vmem>>
      %dma_wait3A_39 = tpu.memref_squeeze %dma_wait3A_38 : memref<1x128xi32, #tpu.memory_space<vmem>> -> memref<128xi32, #tpu.memory_space<vmem>>
      %dma_wait3A_40 = arith.constant 0 : i32
      %dma_wait3A_41 = arith.constant 0 : i32
      %dma_wait3A_42 = tpu.memref_slice %arg2[%dma_wait3A_40, %dma_wait3A_41] : memref<10240x64xbf16, #tpu.memory_space<hbm>> -> memref<10240x64xbf16, #tpu.memory_space<hbm>>
      tpu.wait_indirect_dma semaphore(%arg11 : memref<!tpu.dma_semaphore, #tpu.memory_space<semaphore_mem>>) src(%dma_wait3A_42 : memref<10240x64xbf16, #tpu.memory_space<hbm>>) dst(%arg9 : memref<128x64xbf16, #tpu.memory_space<vmem>>)
      "tpu.region"() ({
        %run_scoped3A = tpu.sem_alloc : memref<!tpu.dma_semaphore, #tpu.memory_space<semaphore_mem>>
        %dma_start3A_43 = arith.constant 0 : i32
        %dma_start3A_44 = tpu.memref_slice %arg8[%while3A_32, %dma_start3A_43] : memref<79x128xi32, #tpu.memory_space<vmem>> -> memref<1x128xi32, #tpu.memory_space<vmem>>
        %dma_start3A_45 = tpu.memref_squeeze %dma_start3A_44 : memref<1x128xi32, #tpu.memory_space<vmem>> -> memref<128xi32, #tpu.memory_space<vmem>>
        %dma_start3A_46 = arith.constant 0 : i32
        %dma_start3A_47 = arith.constant 0 : i32
        %dma_start3A_48 = tpu.memref_slice %arg10[%dma_start3A_46, %dma_start3A_47] : memref<10240x64xbf16, #tpu.memory_space<vmem_shared>> -> memref<10240x64xbf16, #tpu.memory_space<vmem_shared>>
        tpu.enqueue_indirect_dma source(%arg9 : memref<128x64xbf16, #tpu.memory_space<vmem>>) target(%dma_start3A_48 : memref<10240x64xbf16, #tpu.memory_space<vmem_shared>>) offsets(%dma_start3A_45 : memref<128xi32, #tpu.memory_space<vmem>>) semaphore(%run_scoped3A : memref<!tpu.dma_semaphore, #tpu.memory_space<semaphore_mem>>) {add = true}
        %dma_wait3A_49 = arith.constant 0 : i32
        %dma_wait3A_50 = tpu.memref_slice %arg8[%while3A_32, %dma_wait3A_49] : memref<79x128xi32, #tpu.memory_space<vmem>> -> memref<1x128xi32, #tpu.memory_space<vmem>>
        %dma_wait3A_51 = tpu.memref_squeeze %dma_wait3A_50 : memref<1x128xi32, #tpu.memory_space<vmem>> -> memref<128xi32, #tpu.memory_space<vmem>>
        %dma_wait3A_52 = arith.constant 0 : i32
        %dma_wait3A_53 = arith.constant 0 : i32
        %dma_wait3A_54 = tpu.memref_slice %arg10[%dma_wait3A_52, %dma_wait3A_53] : memref<10240x64xbf16, #tpu.memory_space<vmem_shared>> -> memref<10240x64xbf16, #tpu.memory_space<vmem_shared>>
        tpu.wait_indirect_dma semaphore(%run_scoped3A : memref<!tpu.dma_semaphore, #tpu.memory_space<semaphore_mem>>) src(%arg9 : memref<128x64xbf16, #tpu.memory_space<vmem>>) dst(%dma_wait3A_54 : memref<10240x64xbf16, #tpu.memory_space<vmem_shared>>)
        tpu.yield
      }) : () -> ()
    }
    %barrier3A_27 = arith.constant 0 : index
    tpu.barrier barrier_id(%barrier3A_27)
    %mul3A_28 = arith.constant 640 : i32
    %mul3A_29 = arith.muli %arg1, %mul3A_28 : i32
    %mul3A_30 = arith.constant 640 : i32
    %mul3A_31 = arith.muli %arg1, %mul3A_30 : i32
    "tpu.region"() ({
      %run_scoped3A = tpu.sem_alloc : memref<!tpu.dma_semaphore, #tpu.memory_space<semaphore_mem>>
      %dma_start3A = arith.constant 0 : i32
      %dma_start3A_32 = tpu.memref_slice %arg6[%arg0, %mul3A_31, %dma_start3A] : memref<2x10240x64xbf16, #tpu.memory_space<hbm>> -> memref<1x640x64xbf16, #tpu.memory_space<hbm>>
      %dma_start3A_33 = tpu.memref_squeeze %dma_start3A_32 : memref<1x640x64xbf16, #tpu.memory_space<hbm>> -> memref<640x64xbf16, #tpu.memory_space<hbm>>
      %dma_start3A_34 = arith.constant 0 : i32
      %dma_start3A_35 = tpu.memref_slice %arg10[%mul3A_29, %dma_start3A_34] : memref<10240x64xbf16, #tpu.memory_space<vmem_shared>> -> memref<640x64xbf16, #tpu.memory_space<vmem_shared>>
      tpu.enqueue_dma source(%dma_start3A_35 : memref<640x64xbf16, #tpu.memory_space<vmem_shared>>) target(%dma_start3A_33 : memref<640x64xbf16, #tpu.memory_space<hbm>>) target_semaphore(%run_scoped3A : memref<!tpu.dma_semaphore, #tpu.memory_space<semaphore_mem>>)
      %dma_wait3A = arith.constant 0 : i32
      %dma_wait3A_36 = tpu.memref_slice %arg6[%arg0, %mul3A_31, %dma_wait3A] : memref<2x10240x64xbf16, #tpu.memory_space<hbm>> -> memref<1x640x64xbf16, #tpu.memory_space<hbm>>
      %dma_wait3A_37 = tpu.memref_squeeze %dma_wait3A_36 : memref<1x640x64xbf16, #tpu.memory_space<hbm>> -> memref<640x64xbf16, #tpu.memory_space<hbm>>
      %dma_wait3A_38 = arith.constant 0 : i32
      %dma_wait3A_39 = tpu.memref_slice %arg10[%mul3A_29, %dma_wait3A_38] : memref<10240x64xbf16, #tpu.memory_space<vmem_shared>> -> memref<640x64xbf16, #tpu.memory_space<vmem_shared>>
      tpu.wait_dma2 semaphore(%run_scoped3A : memref<!tpu.dma_semaphore, #tpu.memory_space<semaphore_mem>>) src(%dma_wait3A_39 : memref<640x64xbf16, #tpu.memory_space<vmem_shared>>) dst(%dma_wait3A_37 : memref<640x64xbf16, #tpu.memory_space<hbm>>)
      tpu.yield
    }) : () -> ()
    return
  }
}

#map = affine_map<(d0, d1) -> (0, 0)>
#map1 = affine_map<(d0, d1) -> (0, 0, 0)>
module attributes {stable_mosaic.version = 14 : i64} {
  func.func @_deg_body(%arg0: i32, %arg1: i32, %arg2: memref<2587x128xi32, #tpu.memory_space<hbm>>, %arg3: memref<128x16xbf16, #tpu.memory_space<hbm>>, %arg4: memref<10240x16xbf16, #tpu.memory_space<hbm>>, %arg5: memref<2x10240x16xbf16, #tpu.memory_space<hbm>>, %arg6: memref<79x128xi32, #tpu.memory_space<vmem>>, %arg7: memref<128x16xbf16, #tpu.memory_space<vmem>>, %arg8: memref<10240x16xbf16, #tpu.memory_space<vmem_shared>>) attributes {dimension_semantics = [#tpu.dimension_semantics<core_parallel>, #tpu.dimension_semantics<subcore_parallel>], iteration_bounds = array<i64: 2, 16>, scalar_prefetch = 0 : i64, scratch_operands = 3 : i64, tpu.core_type = #tpu.core_type<sc_vector_subcore>, window_params = [{transform_indices = #map}, {transform_indices = #map}, {transform_indices = #map}, {transform_indices = #map1}]} {
    %eq3A = arith.constant 0 : i32
    %eq3A_0 = arith.cmpi eq, %arg0, %eq3A : i32
    %jit3A = arith.constant 78 : i32
    %jit3A_1 = arith.constant 78 : i32
    %select_n3A = arith.select %eq3A_0, %jit3A, %jit3A_1 : i32
    %eq3A_2 = arith.constant 0 : i32
    %eq3A_3 = arith.cmpi eq, %arg0, %eq3A_2 : i32
    %jit3A_4 = arith.constant 2 : i32
    %jit3A_5 = arith.constant 2 : i32
    %select_n3A_6 = arith.select %eq3A_3, %jit3A_4, %jit3A_5 : i32
    %eq3A_7 = arith.constant 0 : i32
    %eq3A_8 = arith.cmpi eq, %arg0, %eq3A_7 : i32
    %jit3A_9 = arith.constant 0 : i32
    %jit3A_10 = arith.constant 1250 : i32
    %select_n3A_11 = arith.select %eq3A_8, %jit3A_9, %jit3A_10 : i32
    %mul3A = arith.muli %arg1, %select_n3A : i32
    %add3A = arith.addi %select_n3A_11, %mul3A : i32
    %min3A = arith.minsi %arg1, %select_n3A_6 : i32
    %add3A_12 = arith.addi %add3A, %min3A : i32
    %lt3A = arith.cmpi slt, %arg1, %select_n3A_6 : i32
    %convert_element_type3A = arith.extui %lt3A : i1 to i32
    %add3A_13 = arith.addi %select_n3A, %convert_element_type3A : i32
    %mul3A_14 = arith.constant 640 : i32
    %mul3A_15 = arith.muli %arg1, %mul3A_14 : i32
    %mul3A_16 = arith.constant 640 : i32
    %mul3A_17 = arith.muli %arg1, %mul3A_16 : i32
    "tpu.region"() ({
      %run_scoped3A = tpu.sem_alloc : memref<!tpu.dma_semaphore, #tpu.memory_space<semaphore_mem>>
      %dma_start3A = arith.constant 0 : i32
      %dma_start3A_32 = tpu.memref_slice %arg8[%mul3A_17, %dma_start3A] : memref<10240x16xbf16, #tpu.memory_space<vmem_shared>> -> memref<640x16xbf16, #tpu.memory_space<vmem_shared>>
      %dma_start3A_33 = arith.constant 0 : i32
      %dma_start3A_34 = tpu.memref_slice %arg4[%mul3A_15, %dma_start3A_33] : memref<10240x16xbf16, #tpu.memory_space<hbm>> -> memref<640x16xbf16, #tpu.memory_space<hbm>>
      tpu.enqueue_dma source(%dma_start3A_34 : memref<640x16xbf16, #tpu.memory_space<hbm>>) target(%dma_start3A_32 : memref<640x16xbf16, #tpu.memory_space<vmem_shared>>) target_semaphore(%run_scoped3A : memref<!tpu.dma_semaphore, #tpu.memory_space<semaphore_mem>>)
      %dma_wait3A = arith.constant 0 : i32
      %dma_wait3A_35 = tpu.memref_slice %arg8[%mul3A_17, %dma_wait3A] : memref<10240x16xbf16, #tpu.memory_space<vmem_shared>> -> memref<640x16xbf16, #tpu.memory_space<vmem_shared>>
      %dma_wait3A_36 = arith.constant 0 : i32
      %dma_wait3A_37 = tpu.memref_slice %arg4[%mul3A_15, %dma_wait3A_36] : memref<10240x16xbf16, #tpu.memory_space<hbm>> -> memref<640x16xbf16, #tpu.memory_space<hbm>>
      tpu.wait_dma2 semaphore(%run_scoped3A : memref<!tpu.dma_semaphore, #tpu.memory_space<semaphore_mem>>) src(%dma_wait3A_37 : memref<640x16xbf16, #tpu.memory_space<hbm>>) dst(%dma_wait3A_35 : memref<640x16xbf16, #tpu.memory_space<vmem_shared>>)
      tpu.yield
    }) : () -> ()
    "tpu.region"() ({
      %run_scoped3A = tpu.sem_alloc : memref<!tpu.dma_semaphore, #tpu.memory_space<semaphore_mem>>
      %dma_start3A = arith.constant 0 : i32
      %dma_start3A_32 = tpu.memref_slice %arg2[%add3A_12, %dma_start3A] : memref<2587x128xi32, #tpu.memory_space<hbm>> -> memref<79x128xi32, #tpu.memory_space<hbm>>
      %dma_start3A_33 = arith.constant 0 : i32
      %dma_start3A_34 = tpu.memref_slice %arg2[%add3A_12, %dma_start3A_33] : memref<2587x128xi32, #tpu.memory_space<hbm>> -> memref<79x128xi32, #tpu.memory_space<hbm>>
      tpu.enqueue_dma source(%dma_start3A_34 : memref<79x128xi32, #tpu.memory_space<hbm>>) target(%arg6 : memref<79x128xi32, #tpu.memory_space<vmem>>) target_semaphore(%run_scoped3A : memref<!tpu.dma_semaphore, #tpu.memory_space<semaphore_mem>>)
      %dma_wait3A = arith.constant 0 : i32
      %dma_wait3A_35 = tpu.memref_slice %arg2[%add3A_12, %dma_wait3A] : memref<2587x128xi32, #tpu.memory_space<hbm>> -> memref<79x128xi32, #tpu.memory_space<hbm>>
      %dma_wait3A_36 = arith.constant 0 : i32
      %dma_wait3A_37 = tpu.memref_slice %arg2[%add3A_12, %dma_wait3A_36] : memref<2587x128xi32, #tpu.memory_space<hbm>> -> memref<79x128xi32, #tpu.memory_space<hbm>>
      tpu.wait_dma2 semaphore(%run_scoped3A : memref<!tpu.dma_semaphore, #tpu.memory_space<semaphore_mem>>) src(%dma_wait3A_37 : memref<79x128xi32, #tpu.memory_space<hbm>>) dst(%arg6 : memref<79x128xi32, #tpu.memory_space<vmem>>)
      tpu.yield
    }) : () -> ()
    "tpu.region"() ({
      %run_scoped3A = tpu.sem_alloc : memref<!tpu.dma_semaphore, #tpu.memory_space<semaphore_mem>>
      tpu.enqueue_dma source(%arg3 : memref<128x16xbf16, #tpu.memory_space<hbm>>) target(%arg7 : memref<128x16xbf16, #tpu.memory_space<vmem>>) target_semaphore(%run_scoped3A : memref<!tpu.dma_semaphore, #tpu.memory_space<semaphore_mem>>)
      tpu.wait_dma2 semaphore(%run_scoped3A : memref<!tpu.dma_semaphore, #tpu.memory_space<semaphore_mem>>) src(%arg3 : memref<128x16xbf16, #tpu.memory_space<hbm>>) dst(%arg7 : memref<128x16xbf16, #tpu.memory_space<vmem>>)
      tpu.yield
    }) : () -> ()
    %barrier3A = arith.constant 0 : index
    tpu.barrier barrier_id(%barrier3A)
    %while3A = arith.constant 0 : i32
    %while3A_18 = arith.constant 0 : i32
    %while3A_19 = arith.subi %add3A_13, %while3A_18 : i32
    %while3A_20 = arith.addi %while3A_18, %while3A_19 : i32
    %while3A_21 = arith.constant 1 : i32
    %while3A_22 = arith.divsi %while3A_19, %while3A_21 : i32
    %while3A_23 = arith.muli %while3A_22, %while3A_21 : i32
    %while3A_24 = arith.addi %while3A_18, %while3A_23 : i32
    %while3A_25 = arith.constant 1 : i32
    scf.for %while3A_32 = %while3A_18 to %while3A_24 step %while3A_25  : i32 {
      "tpu.region"() ({
        %run_scoped3A = tpu.sem_alloc : memref<!tpu.dma_semaphore, #tpu.memory_space<semaphore_mem>>
        %dma_start3A = arith.constant 0 : i32
        %dma_start3A_33 = tpu.memref_slice %arg6[%while3A_32, %dma_start3A] : memref<79x128xi32, #tpu.memory_space<vmem>> -> memref<1x128xi32, #tpu.memory_space<vmem>>
        %dma_start3A_34 = tpu.memref_squeeze %dma_start3A_33 : memref<1x128xi32, #tpu.memory_space<vmem>> -> memref<128xi32, #tpu.memory_space<vmem>>
        %dma_start3A_35 = arith.constant 0 : i32
        %dma_start3A_36 = arith.constant 0 : i32
        %dma_start3A_37 = tpu.memref_slice %arg8[%dma_start3A_35, %dma_start3A_36] : memref<10240x16xbf16, #tpu.memory_space<vmem_shared>> -> memref<10240x16xbf16, #tpu.memory_space<vmem_shared>>
        tpu.enqueue_indirect_dma source(%arg7 : memref<128x16xbf16, #tpu.memory_space<vmem>>) target(%dma_start3A_37 : memref<10240x16xbf16, #tpu.memory_space<vmem_shared>>) offsets(%dma_start3A_34 : memref<128xi32, #tpu.memory_space<vmem>>) semaphore(%run_scoped3A : memref<!tpu.dma_semaphore, #tpu.memory_space<semaphore_mem>>) {add = true}
        %dma_wait3A = arith.constant 0 : i32
        %dma_wait3A_38 = tpu.memref_slice %arg6[%while3A_32, %dma_wait3A] : memref<79x128xi32, #tpu.memory_space<vmem>> -> memref<1x128xi32, #tpu.memory_space<vmem>>
        %dma_wait3A_39 = tpu.memref_squeeze %dma_wait3A_38 : memref<1x128xi32, #tpu.memory_space<vmem>> -> memref<128xi32, #tpu.memory_space<vmem>>
        %dma_wait3A_40 = arith.constant 0 : i32
        %dma_wait3A_41 = arith.constant 0 : i32
        %dma_wait3A_42 = tpu.memref_slice %arg8[%dma_wait3A_40, %dma_wait3A_41] : memref<10240x16xbf16, #tpu.memory_space<vmem_shared>> -> memref<10240x16xbf16, #tpu.memory_space<vmem_shared>>
        tpu.wait_indirect_dma semaphore(%run_scoped3A : memref<!tpu.dma_semaphore, #tpu.memory_space<semaphore_mem>>) src(%arg7 : memref<128x16xbf16, #tpu.memory_space<vmem>>) dst(%dma_wait3A_42 : memref<10240x16xbf16, #tpu.memory_space<vmem_shared>>)
        tpu.yield
      }) : () -> ()
    }
    %while3A_26 = arith.constant 1 : i32
    scf.for %while3A_32 = %while3A_24 to %while3A_20 step %while3A_26  : i32 {
      "tpu.region"() ({
        %run_scoped3A = tpu.sem_alloc : memref<!tpu.dma_semaphore, #tpu.memory_space<semaphore_mem>>
        %dma_start3A = arith.constant 0 : i32
        %dma_start3A_33 = tpu.memref_slice %arg6[%while3A_32, %dma_start3A] : memref<79x128xi32, #tpu.memory_space<vmem>> -> memref<1x128xi32, #tpu.memory_space<vmem>>
        %dma_start3A_34 = tpu.memref_squeeze %dma_start3A_33 : memref<1x128xi32, #tpu.memory_space<vmem>> -> memref<128xi32, #tpu.memory_space<vmem>>
        %dma_start3A_35 = arith.constant 0 : i32
        %dma_start3A_36 = arith.constant 0 : i32
        %dma_start3A_37 = tpu.memref_slice %arg8[%dma_start3A_35, %dma_start3A_36] : memref<10240x16xbf16, #tpu.memory_space<vmem_shared>> -> memref<10240x16xbf16, #tpu.memory_space<vmem_shared>>
        tpu.enqueue_indirect_dma source(%arg7 : memref<128x16xbf16, #tpu.memory_space<vmem>>) target(%dma_start3A_37 : memref<10240x16xbf16, #tpu.memory_space<vmem_shared>>) offsets(%dma_start3A_34 : memref<128xi32, #tpu.memory_space<vmem>>) semaphore(%run_scoped3A : memref<!tpu.dma_semaphore, #tpu.memory_space<semaphore_mem>>) {add = true}
        %dma_wait3A = arith.constant 0 : i32
        %dma_wait3A_38 = tpu.memref_slice %arg6[%while3A_32, %dma_wait3A] : memref<79x128xi32, #tpu.memory_space<vmem>> -> memref<1x128xi32, #tpu.memory_space<vmem>>
        %dma_wait3A_39 = tpu.memref_squeeze %dma_wait3A_38 : memref<1x128xi32, #tpu.memory_space<vmem>> -> memref<128xi32, #tpu.memory_space<vmem>>
        %dma_wait3A_40 = arith.constant 0 : i32
        %dma_wait3A_41 = arith.constant 0 : i32
        %dma_wait3A_42 = tpu.memref_slice %arg8[%dma_wait3A_40, %dma_wait3A_41] : memref<10240x16xbf16, #tpu.memory_space<vmem_shared>> -> memref<10240x16xbf16, #tpu.memory_space<vmem_shared>>
        tpu.wait_indirect_dma semaphore(%run_scoped3A : memref<!tpu.dma_semaphore, #tpu.memory_space<semaphore_mem>>) src(%arg7 : memref<128x16xbf16, #tpu.memory_space<vmem>>) dst(%dma_wait3A_42 : memref<10240x16xbf16, #tpu.memory_space<vmem_shared>>)
        tpu.yield
      }) : () -> ()
    }
    %barrier3A_27 = arith.constant 0 : index
    tpu.barrier barrier_id(%barrier3A_27)
    %mul3A_28 = arith.constant 640 : i32
    %mul3A_29 = arith.muli %arg1, %mul3A_28 : i32
    %mul3A_30 = arith.constant 640 : i32
    %mul3A_31 = arith.muli %arg1, %mul3A_30 : i32
    "tpu.region"() ({
      %run_scoped3A = tpu.sem_alloc : memref<!tpu.dma_semaphore, #tpu.memory_space<semaphore_mem>>
      %dma_start3A = arith.constant 0 : i32
      %dma_start3A_32 = tpu.memref_slice %arg5[%arg0, %mul3A_31, %dma_start3A] : memref<2x10240x16xbf16, #tpu.memory_space<hbm>> -> memref<1x640x16xbf16, #tpu.memory_space<hbm>>
      %dma_start3A_33 = tpu.memref_squeeze %dma_start3A_32 : memref<1x640x16xbf16, #tpu.memory_space<hbm>> -> memref<640x16xbf16, #tpu.memory_space<hbm>>
      %dma_start3A_34 = arith.constant 0 : i32
      %dma_start3A_35 = tpu.memref_slice %arg8[%mul3A_29, %dma_start3A_34] : memref<10240x16xbf16, #tpu.memory_space<vmem_shared>> -> memref<640x16xbf16, #tpu.memory_space<vmem_shared>>
      tpu.enqueue_dma source(%dma_start3A_35 : memref<640x16xbf16, #tpu.memory_space<vmem_shared>>) target(%dma_start3A_33 : memref<640x16xbf16, #tpu.memory_space<hbm>>) target_semaphore(%run_scoped3A : memref<!tpu.dma_semaphore, #tpu.memory_space<semaphore_mem>>)
      %dma_wait3A = arith.constant 0 : i32
      %dma_wait3A_36 = tpu.memref_slice %arg5[%arg0, %mul3A_31, %dma_wait3A] : memref<2x10240x16xbf16, #tpu.memory_space<hbm>> -> memref<1x640x16xbf16, #tpu.memory_space<hbm>>
      %dma_wait3A_37 = tpu.memref_squeeze %dma_wait3A_36 : memref<1x640x16xbf16, #tpu.memory_space<hbm>> -> memref<640x16xbf16, #tpu.memory_space<hbm>>
      %dma_wait3A_38 = arith.constant 0 : i32
      %dma_wait3A_39 = tpu.memref_slice %arg8[%mul3A_29, %dma_wait3A_38] : memref<10240x16xbf16, #tpu.memory_space<vmem_shared>> -> memref<640x16xbf16, #tpu.memory_space<vmem_shared>>
      tpu.wait_dma2 semaphore(%run_scoped3A : memref<!tpu.dma_semaphore, #tpu.memory_space<semaphore_mem>>) src(%dma_wait3A_39 : memref<640x16xbf16, #tpu.memory_space<vmem_shared>>) dst(%dma_wait3A_37 : memref<640x16xbf16, #tpu.memory_space<hbm>>)
      tpu.yield
    }) : () -> ()
    return
  }
}

module attributes {stable_mosaic.version = 14 : i64} {
  func.func @_mm_scale_body(%arg0: i32, %arg1: memref<2x10240x16xbf16, #tpu.memory_space<vmem>>, %arg2: memref<10240x128xf32, #tpu.memory_space<vmem>>, %arg3: memref<128x64xf32, #tpu.memory_space<vmem>>, %arg4: memref<10240x64xbf16, #tpu.memory_space<vmem>>) attributes {dimension_semantics = [#tpu.dimension_semantics<arbitrary>], iteration_bounds = array<i64: 1>, scalar_prefetch = 0 : i64, scratch_operands = 0 : i64, tpu.core_type = #tpu.core_type<tc>, window_params = [{transform_indices = @transform_0, window_bounds = array<i64: 2, 10240, 16>}, {transform_indices = @transform_1, window_bounds = array<i64: 10240, 128>}, {pipeline_mode = #tpu.pipeline_mode<synchronous>, transform_indices = @transform_2, window_bounds = array<i64: 128, 64>}, {transform_indices = @transform_3, window_bounds = array<i64: 10240, 64>}]} {
    %mul3A = arith.constant 10240 : i32
    %mul3A_0 = arith.muli %arg0, %mul3A : i32
    %get3A = arith.constant 0 : index
    %get3A_1 = arith.constant 0 : index
    %get3A_2 = arith.constant 0 : index
    %get3A_3 = vector.load %arg1[%get3A, %get3A_1, %get3A_2] : memref<2x10240x16xbf16, #tpu.memory_space<vmem>>, vector<1x10240x16xbf16>
    %get3A_4 = vector.shape_cast %get3A_3 : vector<1x10240x16xbf16> to vector<10240x16xbf16>
    %slice3A = vector.extract_strided_slice %get3A_4 {offsets = [0, 0], sizes = [10240, 1], strides = [1, 1]} : vector<10240x16xbf16> to vector<10240x1xbf16>
    %get3A_5 = arith.constant 1 : index
    %get3A_6 = arith.constant 0 : index
    %get3A_7 = arith.constant 0 : index
    %get3A_8 = vector.load %arg1[%get3A_5, %get3A_6, %get3A_7] : memref<2x10240x16xbf16, #tpu.memory_space<vmem>>, vector<1x10240x16xbf16>
    %get3A_9 = vector.shape_cast %get3A_8 : vector<1x10240x16xbf16> to vector<10240x16xbf16>
    %slice3A_10 = vector.extract_strided_slice %get3A_9 {offsets = [0, 0], sizes = [10240, 1], strides = [1, 1]} : vector<10240x16xbf16> to vector<10240x1xbf16>
    %add3A = arith.addf %slice3A, %slice3A_10 : vector<10240x1xbf16>
    %convert_element_type3A = arith.extf %add3A : vector<10240x1xbf16> to vector<10240x1xf32>
    %add3A_11 = arith.constant 1.000000e+00 : f32
    %add3A_12 = vector.broadcast %add3A_11 : f32 to vector<10240x1xf32>
    %add3A_13 = arith.addf %convert_element_type3A, %add3A_12 : vector<10240x1xf32>
    %iota3A = tpu.iota {dimensions = array<i32: 0>} : vector<10240x1xi32>
    %add3A_14 = vector.broadcast %mul3A_0 : i32 to vector<10240x1xi32>
    %add3A_15 = arith.addi %add3A_14, %iota3A : vector<10240x1xi32>
    %lt3A = arith.constant 10000 : i32
    %lt3A_16 = vector.broadcast %lt3A : i32 to vector<10240x1xi32>
    %lt3A_17 = arith.cmpi slt, %add3A_15, %lt3A_16 : vector<10240x1xi32>
    %rsqrt3A = math.rsqrt %add3A_13 : vector<10240x1xf32>
    %jit3A = arith.constant 0.000000e+00 : f32
    %broadcast_in_dim3A = vector.broadcast %jit3A : f32 to vector<10240x1xf32>
    %select_n3A = arith.select %lt3A_17, %rsqrt3A, %broadcast_in_dim3A : vector<10240x1xi1>, vector<10240x1xf32>
    %mul3A_18 = arith.constant 10240 : i32
    %mul3A_19 = arith.muli %arg0, %mul3A_18 : i32
    %iota3A_20 = tpu.iota {dimensions = array<i32: 0>} : vector<10240x1xi32>
    %add3A_21 = vector.broadcast %mul3A_19 : i32 to vector<10240x1xi32>
    %add3A_22 = arith.addi %add3A_21, %iota3A_20 : vector<10240x1xi32>
    %get3A_23 = arith.constant 0 : index
    %get3A_24 = arith.constant 0 : index
    %get3A_25 = vector.load %arg2[%get3A_23, %get3A_24] : memref<10240x128xf32, #tpu.memory_space<vmem>>, vector<10240x128xf32>
    %get3A_26 = arith.constant 0 : index
    %get3A_27 = arith.constant 0 : index
    %get3A_28 = vector.load %arg3[%get3A_26, %get3A_27] : memref<128x64xf32, #tpu.memory_space<vmem>>, vector<128x64xf32>
    %dot_general3A = arith.constant dense<0.000000e+00> : vector<10240x64xf32>
    %dot_general3A_29 = tpu.matmul %get3A_25, %get3A_28, %dot_general3A {dimension_numbers = #tpu.dot_dimension_numbers<[1], [0], [0], [1], [0, 0, 1, 1], [], []>, transpose_lhs_hint = false} : vector<10240x128xf32>, vector<128x64xf32>, vector<10240x64xf32> -> vector<10240x64xf32>
    %lt3A_30 = arith.constant 10000 : i32
    %lt3A_31 = vector.broadcast %lt3A_30 : i32 to vector<10240x1xi32>
    %lt3A_32 = arith.cmpi slt, %add3A_22, %lt3A_31 : vector<10240x1xi32>
    %mul3A_33 = vector.broadcast %select_n3A : vector<10240x1xf32> to vector<10240x64xf32>
    %mul3A_34 = arith.mulf %dot_general3A_29, %mul3A_33 : vector<10240x64xf32>
    %jit3A_35 = arith.constant 0.000000e+00 : f32
    %broadcast_in_dim3A_36 = vector.shape_cast %lt3A_32 : vector<10240x1xi1> to vector<10240x1xi1>
    %broadcast_in_dim3A_37 = vector.broadcast %broadcast_in_dim3A_36 : vector<10240x1xi1> to vector<10240x64xi1>
    %broadcast_in_dim3A_38 = vector.broadcast %jit3A_35 : f32 to vector<10240x64xf32>
    %select_n3A_39 = arith.select %broadcast_in_dim3A_37, %mul3A_34, %broadcast_in_dim3A_38 : vector<10240x64xi1>, vector<10240x64xf32>
    %convert_element_type3A_40 = arith.truncf %select_n3A_39 : vector<10240x64xf32> to vector<10240x64xbf16>
    %swap3A = arith.constant 0 : index
    %swap3A_41 = arith.constant 0 : index
    %swap3A_42 = vector.load %arg4[%swap3A, %swap3A_41] : memref<10240x64xbf16, #tpu.memory_space<vmem>>, vector<10240x64xbf16>
    tpu.vector_store %arg4[%swap3A, %swap3A_41], %convert_element_type3A_40 {strides = array<i32>} : memref<10240x64xbf16, #tpu.memory_space<vmem>>, vector<10240x64xbf16>,
    return
  }
  func.func @transform_0(%arg0: i32) -> (i32, i32, i32) {
    %c0_i32 = arith.constant 0 : i32
    %c0_i32_0 = arith.constant 0 : i32
    %c0_i32_1 = arith.constant 0 : i32
    return %c0_i32, %arg0, %c0_i32_0 : i32, i32, i32
  }
  func.func @transform_1(%arg0: i32) -> (i32, i32) {
    %c0_i32 = arith.constant 0 : i32
    %c0_i32_0 = arith.constant 0 : i32
    return %arg0, %c0_i32 : i32, i32
  }
  func.func @transform_2(%arg0: i32) -> (i32, i32) {
    %c0_i32 = arith.constant 0 : i32
    %c0_i32_0 = arith.constant 0 : i32
    %c0_i32_1 = arith.constant 0 : i32
    return %c0_i32, %c0_i32_0 : i32, i32
  }
  func.func @transform_3(%arg0: i32) -> (i32, i32) {
    %c0_i32 = arith.constant 0 : i32
    %c0_i32_0 = arith.constant 0 : i32
    return %arg0, %c0_i32 : i32, i32
  }
}

module attributes {stable_mosaic.version = 14 : i64} {
  func.func @_comb_mm_body(%arg0: i32, %arg1: memref<2x10240x16xbf16, #tpu.memory_space<vmem>>, %arg2: memref<2x10240x64xbf16, #tpu.memory_space<vmem>>, %arg3: memref<10240x64xbf16, #tpu.memory_space<vmem>>, %arg4: memref<1x64xf32, #tpu.memory_space<vmem>>, %arg5: memref<64x64xf32, #tpu.memory_space<vmem>>, %arg6: memref<10240x64xbf16, #tpu.memory_space<vmem>>) attributes {dimension_semantics = [#tpu.dimension_semantics<arbitrary>], iteration_bounds = array<i64: 1>, scalar_prefetch = 0 : i64, scratch_operands = 0 : i64, tpu.core_type = #tpu.core_type<tc>, window_params = [{transform_indices = @transform_0, window_bounds = array<i64: 2, 10240, 16>}, {transform_indices = @transform_1, window_bounds = array<i64: 2, 10240, 64>}, {transform_indices = @transform_2, window_bounds = array<i64: 10240, 64>}, {pipeline_mode = #tpu.pipeline_mode<synchronous>, transform_indices = @transform_3, window_bounds = array<i64: 1, 64>}, {pipeline_mode = #tpu.pipeline_mode<synchronous>, transform_indices = @transform_4, window_bounds = array<i64: 64, 64>}, {transform_indices = @transform_5, window_bounds = array<i64: 10240, 64>}]} {
    %mul3A = arith.constant 10240 : i32
    %mul3A_0 = arith.muli %arg0, %mul3A : i32
    %get3A = arith.constant 0 : index
    %get3A_1 = arith.constant 0 : index
    %get3A_2 = arith.constant 0 : index
    %get3A_3 = vector.load %arg1[%get3A, %get3A_1, %get3A_2] : memref<2x10240x16xbf16, #tpu.memory_space<vmem>>, vector<1x10240x16xbf16>
    %get3A_4 = vector.shape_cast %get3A_3 : vector<1x10240x16xbf16> to vector<10240x16xbf16>
    %slice3A = vector.extract_strided_slice %get3A_4 {offsets = [0, 0], sizes = [10240, 1], strides = [1, 1]} : vector<10240x16xbf16> to vector<10240x1xbf16>
    %get3A_5 = arith.constant 1 : index
    %get3A_6 = arith.constant 0 : index
    %get3A_7 = arith.constant 0 : index
    %get3A_8 = vector.load %arg1[%get3A_5, %get3A_6, %get3A_7] : memref<2x10240x16xbf16, #tpu.memory_space<vmem>>, vector<1x10240x16xbf16>
    %get3A_9 = vector.shape_cast %get3A_8 : vector<1x10240x16xbf16> to vector<10240x16xbf16>
    %slice3A_10 = vector.extract_strided_slice %get3A_9 {offsets = [0, 0], sizes = [10240, 1], strides = [1, 1]} : vector<10240x16xbf16> to vector<10240x1xbf16>
    %add3A = arith.addf %slice3A, %slice3A_10 : vector<10240x1xbf16>
    %convert_element_type3A = arith.extf %add3A : vector<10240x1xbf16> to vector<10240x1xf32>
    %add3A_11 = arith.constant 1.000000e+00 : f32
    %add3A_12 = vector.broadcast %add3A_11 : f32 to vector<10240x1xf32>
    %add3A_13 = arith.addf %convert_element_type3A, %add3A_12 : vector<10240x1xf32>
    %iota3A = tpu.iota {dimensions = array<i32: 0>} : vector<10240x1xi32>
    %add3A_14 = vector.broadcast %mul3A_0 : i32 to vector<10240x1xi32>
    %add3A_15 = arith.addi %add3A_14, %iota3A : vector<10240x1xi32>
    %lt3A = arith.constant 10000 : i32
    %lt3A_16 = vector.broadcast %lt3A : i32 to vector<10240x1xi32>
    %lt3A_17 = arith.cmpi slt, %add3A_15, %lt3A_16 : vector<10240x1xi32>
    %rsqrt3A = math.rsqrt %add3A_13 : vector<10240x1xf32>
    %jit3A = arith.constant 0.000000e+00 : f32
    %broadcast_in_dim3A = vector.broadcast %jit3A : f32 to vector<10240x1xf32>
    %select_n3A = arith.select %lt3A_17, %rsqrt3A, %broadcast_in_dim3A : vector<10240x1xi1>, vector<10240x1xf32>
    %get3A_18 = arith.constant 0 : index
    %get3A_19 = arith.constant 0 : index
    %get3A_20 = arith.constant 0 : index
    %get3A_21 = vector.load %arg2[%get3A_18, %get3A_19, %get3A_20] : memref<2x10240x64xbf16, #tpu.memory_space<vmem>>, vector<1x10240x64xbf16>
    %get3A_22 = vector.shape_cast %get3A_21 : vector<1x10240x64xbf16> to vector<10240x64xbf16>
    %get3A_23 = arith.constant 1 : index
    %get3A_24 = arith.constant 0 : index
    %get3A_25 = arith.constant 0 : index
    %get3A_26 = vector.load %arg2[%get3A_23, %get3A_24, %get3A_25] : memref<2x10240x64xbf16, #tpu.memory_space<vmem>>, vector<1x10240x64xbf16>
    %get3A_27 = vector.shape_cast %get3A_26 : vector<1x10240x64xbf16> to vector<10240x64xbf16>
    %add3A_28 = arith.addf %get3A_22, %get3A_27 : vector<10240x64xbf16>
    %convert_element_type3A_29 = arith.extf %add3A_28 : vector<10240x64xbf16> to vector<10240x64xf32>
    %get3A_30 = arith.constant 0 : index
    %get3A_31 = arith.constant 0 : index
    %get3A_32 = vector.load %arg3[%get3A_30, %get3A_31] : memref<10240x64xbf16, #tpu.memory_space<vmem>>, vector<10240x64xbf16>
    %convert_element_type3A_33 = arith.extf %get3A_32 : vector<10240x64xbf16> to vector<10240x64xf32>
    %add3A_34 = arith.addf %convert_element_type3A_29, %convert_element_type3A_33 : vector<10240x64xf32>
    %mul3A_35 = vector.broadcast %select_n3A : vector<10240x1xf32> to vector<10240x64xf32>
    %mul3A_36 = arith.mulf %mul3A_35, %add3A_34 : vector<10240x64xf32>
    %get3A_37 = arith.constant 0 : index
    %get3A_38 = arith.constant 0 : index
    %get3A_39 = vector.load %arg4[%get3A_37, %get3A_38] : memref<1x64xf32, #tpu.memory_space<vmem>>, vector<1x64xf32>
    %add3A_40 = vector.broadcast %get3A_39 : vector<1x64xf32> to vector<10240x64xf32>
    %add3A_41 = arith.addf %mul3A_36, %add3A_40 : vector<10240x64xf32>
    %max3A = arith.constant 0.000000e+00 : f32
    %max3A_42 = vector.broadcast %max3A : f32 to vector<10240x64xf32>
    %max3A_43 = arith.maximumf %add3A_41, %max3A_42 : vector<10240x64xf32>
    %get3A_44 = arith.constant 0 : index
    %get3A_45 = arith.constant 0 : index
    %get3A_46 = vector.load %arg5[%get3A_44, %get3A_45] : memref<64x64xf32, #tpu.memory_space<vmem>>, vector<64x64xf32>
    %dot_general3A = arith.constant dense<0.000000e+00> : vector<10240x64xf32>
    %dot_general3A_47 = tpu.matmul %max3A_43, %get3A_46, %dot_general3A {dimension_numbers = #tpu.dot_dimension_numbers<[1], [0], [0], [1], [0, 0, 1, 1], [], []>, transpose_lhs_hint = false} : vector<10240x64xf32>, vector<64x64xf32>, vector<10240x64xf32> -> vector<10240x64xf32>
    %mul3A_48 = vector.broadcast %select_n3A : vector<10240x1xf32> to vector<10240x64xf32>
    %mul3A_49 = arith.mulf %mul3A_48, %dot_general3A_47 : vector<10240x64xf32>
    %convert_element_type3A_50 = arith.truncf %mul3A_49 : vector<10240x64xf32> to vector<10240x64xbf16>
    %swap3A = arith.constant 0 : index
    %swap3A_51 = arith.constant 0 : index
    %swap3A_52 = vector.load %arg6[%swap3A, %swap3A_51] : memref<10240x64xbf16, #tpu.memory_space<vmem>>, vector<10240x64xbf16>
    tpu.vector_store %arg6[%swap3A, %swap3A_51], %convert_element_type3A_50 {strides = array<i32>} : memref<10240x64xbf16, #tpu.memory_space<vmem>>, vector<10240x64xbf16>,
    return
  }
  func.func @transform_0(%arg0: i32) -> (i32, i32, i32) {
    %c0_i32 = arith.constant 0 : i32
    %c0_i32_0 = arith.constant 0 : i32
    %c0_i32_1 = arith.constant 0 : i32
    return %c0_i32, %arg0, %c0_i32_0 : i32, i32, i32
  }
  func.func @transform_1(%arg0: i32) -> (i32, i32, i32) {
    %c0_i32 = arith.constant 0 : i32
    %c0_i32_0 = arith.constant 0 : i32
    %c0_i32_1 = arith.constant 0 : i32
    return %c0_i32, %arg0, %c0_i32_0 : i32, i32, i32
  }
  func.func @transform_2(%arg0: i32) -> (i32, i32) {
    %c0_i32 = arith.constant 0 : i32
    %c0_i32_0 = arith.constant 0 : i32
    return %arg0, %c0_i32 : i32, i32
  }
  func.func @transform_3(%arg0: i32) -> (i32, i32) {
    %c0_i32 = arith.constant 0 : i32
    %c0_i32_0 = arith.constant 0 : i32
    %c0_i32_1 = arith.constant 0 : i32
    return %c0_i32, %c0_i32_0 : i32, i32
  }
  func.func @transform_4(%arg0: i32) -> (i32, i32) {
    %c0_i32 = arith.constant 0 : i32
    %c0_i32_0 = arith.constant 0 : i32
    %c0_i32_1 = arith.constant 0 : i32
    return %c0_i32, %c0_i32_0 : i32, i32
  }
  func.func @transform_5(%arg0: i32) -> (i32, i32) {
    %c0_i32 = arith.constant 0 : i32
    %c0_i32_0 = arith.constant 0 : i32
    return %arg0, %c0_i32 : i32, i32
  }
}

module attributes {stable_mosaic.version = 14 : i64} {
  func.func @_comb_body(%arg0: i32, %arg1: memref<2x10240x16xbf16, #tpu.memory_space<vmem>>, %arg2: memref<2x10240x64xbf16, #tpu.memory_space<vmem>>, %arg3: memref<10240x64xbf16, #tpu.memory_space<vmem>>, %arg4: memref<1x64xf32, #tpu.memory_space<vmem>>, %arg5: memref<10240x64xbf16, #tpu.memory_space<vmem>>) attributes {dimension_semantics = [#tpu.dimension_semantics<arbitrary>], iteration_bounds = array<i64: 1>, scalar_prefetch = 0 : i64, scratch_operands = 0 : i64, tpu.core_type = #tpu.core_type<tc>, window_params = [{transform_indices = @transform_0, window_bounds = array<i64: 2, 10240, 16>}, {transform_indices = @transform_1, window_bounds = array<i64: 2, 10240, 64>}, {transform_indices = @transform_2, window_bounds = array<i64: 10240, 64>}, {pipeline_mode = #tpu.pipeline_mode<synchronous>, transform_indices = @transform_3, window_bounds = array<i64: 1, 64>}, {transform_indices = @transform_4, window_bounds = array<i64: 10240, 64>}]} {
    %mul3A = arith.constant 10240 : i32
    %mul3A_0 = arith.muli %arg0, %mul3A : i32
    %get3A = arith.constant 0 : index
    %get3A_1 = arith.constant 0 : index
    %get3A_2 = arith.constant 0 : index
    %get3A_3 = vector.load %arg1[%get3A, %get3A_1, %get3A_2] : memref<2x10240x16xbf16, #tpu.memory_space<vmem>>, vector<1x10240x16xbf16>
    %get3A_4 = vector.shape_cast %get3A_3 : vector<1x10240x16xbf16> to vector<10240x16xbf16>
    %slice3A = vector.extract_strided_slice %get3A_4 {offsets = [0, 0], sizes = [10240, 1], strides = [1, 1]} : vector<10240x16xbf16> to vector<10240x1xbf16>
    %get3A_5 = arith.constant 1 : index
    %get3A_6 = arith.constant 0 : index
    %get3A_7 = arith.constant 0 : index
    %get3A_8 = vector.load %arg1[%get3A_5, %get3A_6, %get3A_7] : memref<2x10240x16xbf16, #tpu.memory_space<vmem>>, vector<1x10240x16xbf16>
    %get3A_9 = vector.shape_cast %get3A_8 : vector<1x10240x16xbf16> to vector<10240x16xbf16>
    %slice3A_10 = vector.extract_strided_slice %get3A_9 {offsets = [0, 0], sizes = [10240, 1], strides = [1, 1]} : vector<10240x16xbf16> to vector<10240x1xbf16>
    %add3A = arith.addf %slice3A, %slice3A_10 : vector<10240x1xbf16>
    %convert_element_type3A = arith.extf %add3A : vector<10240x1xbf16> to vector<10240x1xf32>
    %add3A_11 = arith.constant 1.000000e+00 : f32
    %add3A_12 = vector.broadcast %add3A_11 : f32 to vector<10240x1xf32>
    %add3A_13 = arith.addf %convert_element_type3A, %add3A_12 : vector<10240x1xf32>
    %iota3A = tpu.iota {dimensions = array<i32: 0>} : vector<10240x1xi32>
    %add3A_14 = vector.broadcast %mul3A_0 : i32 to vector<10240x1xi32>
    %add3A_15 = arith.addi %add3A_14, %iota3A : vector<10240x1xi32>
    %lt3A = arith.constant 10000 : i32
    %lt3A_16 = vector.broadcast %lt3A : i32 to vector<10240x1xi32>
    %lt3A_17 = arith.cmpi slt, %add3A_15, %lt3A_16 : vector<10240x1xi32>
    %rsqrt3A = math.rsqrt %add3A_13 : vector<10240x1xf32>
    %jit3A = arith.constant 0.000000e+00 : f32
    %broadcast_in_dim3A = vector.broadcast %jit3A : f32 to vector<10240x1xf32>
    %select_n3A = arith.select %lt3A_17, %rsqrt3A, %broadcast_in_dim3A : vector<10240x1xi1>, vector<10240x1xf32>
    %get3A_18 = arith.constant 0 : index
    %get3A_19 = arith.constant 0 : index
    %get3A_20 = arith.constant 0 : index
    %get3A_21 = vector.load %arg2[%get3A_18, %get3A_19, %get3A_20] : memref<2x10240x64xbf16, #tpu.memory_space<vmem>>, vector<1x10240x64xbf16>
    %get3A_22 = vector.shape_cast %get3A_21 : vector<1x10240x64xbf16> to vector<10240x64xbf16>
    %get3A_23 = arith.constant 1 : index
    %get3A_24 = arith.constant 0 : index
    %get3A_25 = arith.constant 0 : index
    %get3A_26 = vector.load %arg2[%get3A_23, %get3A_24, %get3A_25] : memref<2x10240x64xbf16, #tpu.memory_space<vmem>>, vector<1x10240x64xbf16>
    %get3A_27 = vector.shape_cast %get3A_26 : vector<1x10240x64xbf16> to vector<10240x64xbf16>
    %add3A_28 = arith.addf %get3A_22, %get3A_27 : vector<10240x64xbf16>
    %convert_element_type3A_29 = arith.extf %add3A_28 : vector<10240x64xbf16> to vector<10240x64xf32>
    %get3A_30 = arith.constant 0 : index
    %get3A_31 = arith.constant 0 : index
    %get3A_32 = vector.load %arg3[%get3A_30, %get3A_31] : memref<10240x64xbf16, #tpu.memory_space<vmem>>, vector<10240x64xbf16>
    %convert_element_type3A_33 = arith.extf %get3A_32 : vector<10240x64xbf16> to vector<10240x64xf32>
    %add3A_34 = arith.addf %convert_element_type3A_29, %convert_element_type3A_33 : vector<10240x64xf32>
    %mul3A_35 = vector.broadcast %select_n3A : vector<10240x1xf32> to vector<10240x64xf32>
    %mul3A_36 = arith.mulf %mul3A_35, %add3A_34 : vector<10240x64xf32>
    %get3A_37 = arith.constant 0 : index
    %get3A_38 = arith.constant 0 : index
    %get3A_39 = vector.load %arg4[%get3A_37, %get3A_38] : memref<1x64xf32, #tpu.memory_space<vmem>>, vector<1x64xf32>
    %add3A_40 = vector.broadcast %get3A_39 : vector<1x64xf32> to vector<10240x64xf32>
    %add3A_41 = arith.addf %mul3A_36, %add3A_40 : vector<10240x64xf32>
    %max3A = arith.constant 0.000000e+00 : f32
    %max3A_42 = vector.broadcast %max3A : f32 to vector<10240x64xf32>
    %max3A_43 = arith.maximumf %add3A_41, %max3A_42 : vector<10240x64xf32>
    %mul3A_44 = vector.broadcast %select_n3A : vector<10240x1xf32> to vector<10240x64xf32>
    %mul3A_45 = arith.mulf %mul3A_44, %max3A_43 : vector<10240x64xf32>
    %convert_element_type3A_46 = arith.truncf %mul3A_45 : vector<10240x64xf32> to vector<10240x64xbf16>
    %swap3A = arith.constant 0 : index
    %swap3A_47 = arith.constant 0 : index
    %swap3A_48 = vector.load %arg5[%swap3A, %swap3A_47] : memref<10240x64xbf16, #tpu.memory_space<vmem>>, vector<10240x64xbf16>
    tpu.vector_store %arg5[%swap3A, %swap3A_47], %convert_element_type3A_46 {strides = array<i32>} : memref<10240x64xbf16, #tpu.memory_space<vmem>>, vector<10240x64xbf16>,
    return
  }
  func.func @transform_0(%arg0: i32) -> (i32, i32, i32) {
    %c0_i32 = arith.constant 0 : i32
    %c0_i32_0 = arith.constant 0 : i32
    %c0_i32_1 = arith.constant 0 : i32
    return %c0_i32, %arg0, %c0_i32_0 : i32, i32, i32
  }
  func.func @transform_1(%arg0: i32) -> (i32, i32, i32) {
    %c0_i32 = arith.constant 0 : i32
    %c0_i32_0 = arith.constant 0 : i32
    %c0_i32_1 = arith.constant 0 : i32
    return %c0_i32, %arg0, %c0_i32_0 : i32, i32, i32
  }
  func.func @transform_2(%arg0: i32) -> (i32, i32) {
    %c0_i32 = arith.constant 0 : i32
    %c0_i32_0 = arith.constant 0 : i32
    return %arg0, %c0_i32 : i32, i32
  }
  func.func @transform_3(%arg0: i32) -> (i32, i32) {
    %c0_i32 = arith.constant 0 : i32
    %c0_i32_0 = arith.constant 0 : i32
    %c0_i32_1 = arith.constant 0 : i32
    return %c0_i32, %c0_i32_0 : i32, i32
  }
  func.func @transform_4(%arg0: i32) -> (i32, i32) {
    %c0_i32 = arith.constant 0 : i32
    %c0_i32_0 = arith.constant 0 : i32
    return %arg0, %c0_i32 : i32, i32
  }
}

module attributes {stable_mosaic.version = 14 : i64} {
  func.func @_final_body(%arg0: i32, %arg1: memref<2x10000x16xbf16, #tpu.memory_space<vmem>>, %arg2: memref<2x10000x64xbf16, #tpu.memory_space<vmem>>, %arg3: memref<10000x64xbf16, #tpu.memory_space<vmem>>, %arg4: memref<64x40xf32, #tpu.memory_space<vmem>>, %arg5: memref<1x40xf32, #tpu.memory_space<vmem>>, %arg6: memref<10000x40xf32, #tpu.memory_space<vmem>>) attributes {dimension_semantics = [#tpu.dimension_semantics<arbitrary>], iteration_bounds = array<i64: 1>, scalar_prefetch = 0 : i64, scratch_operands = 0 : i64, tpu.core_type = #tpu.core_type<tc>, window_params = [{transform_indices = @transform_0, window_bounds = array<i64: 2, 10000, 16>}, {transform_indices = @transform_1, window_bounds = array<i64: 2, 10000, 64>}, {transform_indices = @transform_2, window_bounds = array<i64: 10000, 64>}, {pipeline_mode = #tpu.pipeline_mode<synchronous>, transform_indices = @transform_3, window_bounds = array<i64: 64, 40>}, {pipeline_mode = #tpu.pipeline_mode<synchronous>, transform_indices = @transform_4, window_bounds = array<i64: 1, 40>}, {transform_indices = @transform_5, window_bounds = array<i64: 10000, 40>}]} {
    %get3A = arith.constant 0 : index
    %get3A_0 = arith.constant 0 : index
    %get3A_1 = arith.constant 0 : index
    %get3A_2 = vector.load %arg1[%get3A, %get3A_0, %get3A_1] : memref<2x10000x16xbf16, #tpu.memory_space<vmem>>, vector<1x10000x16xbf16>
    %get3A_3 = vector.shape_cast %get3A_2 : vector<1x10000x16xbf16> to vector<10000x16xbf16>
    %slice3A = vector.extract_strided_slice %get3A_3 {offsets = [0, 0], sizes = [10000, 1], strides = [1, 1]} : vector<10000x16xbf16> to vector<10000x1xbf16>
    %get3A_4 = arith.constant 1 : index
    %get3A_5 = arith.constant 0 : index
    %get3A_6 = arith.constant 0 : index
    %get3A_7 = vector.load %arg1[%get3A_4, %get3A_5, %get3A_6] : memref<2x10000x16xbf16, #tpu.memory_space<vmem>>, vector<1x10000x16xbf16>
    %get3A_8 = vector.shape_cast %get3A_7 : vector<1x10000x16xbf16> to vector<10000x16xbf16>
    %slice3A_9 = vector.extract_strided_slice %get3A_8 {offsets = [0, 0], sizes = [10000, 1], strides = [1, 1]} : vector<10000x16xbf16> to vector<10000x1xbf16>
    %add3A = arith.addf %slice3A, %slice3A_9 : vector<10000x1xbf16>
    %convert_element_type3A = arith.extf %add3A : vector<10000x1xbf16> to vector<10000x1xf32>
    %add3A_10 = arith.constant 1.000000e+00 : f32
    %add3A_11 = vector.broadcast %add3A_10 : f32 to vector<10000x1xf32>
    %add3A_12 = arith.addf %convert_element_type3A, %add3A_11 : vector<10000x1xf32>
    %rsqrt3A = math.rsqrt %add3A_12 : vector<10000x1xf32>
    %get3A_13 = arith.constant 0 : index
    %get3A_14 = arith.constant 0 : index
    %get3A_15 = arith.constant 0 : index
    %get3A_16 = vector.load %arg2[%get3A_13, %get3A_14, %get3A_15] : memref<2x10000x64xbf16, #tpu.memory_space<vmem>>, vector<1x10000x64xbf16>
    %get3A_17 = vector.shape_cast %get3A_16 : vector<1x10000x64xbf16> to vector<10000x64xbf16>
    %get3A_18 = arith.constant 1 : index
    %get3A_19 = arith.constant 0 : index
    %get3A_20 = arith.constant 0 : index
    %get3A_21 = vector.load %arg2[%get3A_18, %get3A_19, %get3A_20] : memref<2x10000x64xbf16, #tpu.memory_space<vmem>>, vector<1x10000x64xbf16>
    %get3A_22 = vector.shape_cast %get3A_21 : vector<1x10000x64xbf16> to vector<10000x64xbf16>
    %add3A_23 = arith.addf %get3A_17, %get3A_22 : vector<10000x64xbf16>
    %convert_element_type3A_24 = arith.extf %add3A_23 : vector<10000x64xbf16> to vector<10000x64xf32>
    %get3A_25 = arith.constant 0 : index
    %get3A_26 = arith.constant 0 : index
    %get3A_27 = vector.load %arg3[%get3A_25, %get3A_26] : memref<10000x64xbf16, #tpu.memory_space<vmem>>, vector<10000x64xbf16>
    %convert_element_type3A_28 = arith.extf %get3A_27 : vector<10000x64xbf16> to vector<10000x64xf32>
    %add3A_29 = arith.addf %convert_element_type3A_24, %convert_element_type3A_28 : vector<10000x64xf32>
    %mul3A = vector.broadcast %rsqrt3A : vector<10000x1xf32> to vector<10000x64xf32>
    %mul3A_30 = arith.mulf %mul3A, %add3A_29 : vector<10000x64xf32>
    %get3A_31 = arith.constant 0 : index
    %get3A_32 = arith.constant 0 : index
    %get3A_33 = vector.load %arg4[%get3A_31, %get3A_32] : memref<64x40xf32, #tpu.memory_space<vmem>>, vector<64x40xf32>
    %dot_general3A = arith.constant dense<0.000000e+00> : vector<10000x40xf32>
    %dot_general3A_34 = tpu.matmul %mul3A_30, %get3A_33, %dot_general3A {dimension_numbers = #tpu.dot_dimension_numbers<[1], [0], [0], [1], [0, 0, 1, 1], [], []>, transpose_lhs_hint = false} : vector<10000x64xf32>, vector<64x40xf32>, vector<10000x40xf32> -> vector<10000x40xf32>
    %get3A_35 = arith.constant 0 : index
    %get3A_36 = arith.constant 0 : index
    %get3A_37 = vector.load %arg5[%get3A_35, %get3A_36] : memref<1x40xf32, #tpu.memory_space<vmem>>, vector<1x40xf32>
    %add3A_38 = vector.broadcast %get3A_37 : vector<1x40xf32> to vector<10000x40xf32>
    %add3A_39 = arith.addf %dot_general3A_34, %add3A_38 : vector<10000x40xf32>
    %reduce_max3A = arith.constant dense<0xFF800000> : vector<10000xf32>
    %reduce_max3A_40 = vector.multi_reduction <maximumf>, %add3A_39, %reduce_max3A [1] : vector<10000x40xf32> to vector<10000xf32>
    %broadcast_in_dim3A = vector.shape_cast %reduce_max3A_40 : vector<10000xf32> to vector<10000x1xf32>
    %sub3A = vector.broadcast %broadcast_in_dim3A : vector<10000x1xf32> to vector<10000x40xf32>
    %sub3A_41 = arith.subf %add3A_39, %sub3A : vector<10000x40xf32>
    %exp3A = math.exp %sub3A_41 : vector<10000x40xf32>
    %reduce_sum3A = arith.constant dense<0.000000e+00> : vector<10000xf32>
    %reduce_sum3A_42 = vector.multi_reduction <add>, %exp3A, %reduce_sum3A [1] : vector<10000x40xf32> to vector<10000xf32>
    %broadcast_in_dim3A_43 = vector.shape_cast %reduce_sum3A_42 : vector<10000xf32> to vector<10000x1xf32>
    %log3A = math.log %broadcast_in_dim3A_43 : vector<10000x1xf32>
    %add3A_44 = arith.addf %broadcast_in_dim3A, %log3A : vector<10000x1xf32>
    %sub3A_45 = vector.broadcast %add3A_44 : vector<10000x1xf32> to vector<10000x40xf32>
    %sub3A_46 = arith.subf %add3A_39, %sub3A_45 : vector<10000x40xf32>
    %swap3A = arith.constant 0 : index
    %swap3A_47 = arith.constant 0 : index
    %swap3A_48 = vector.load %arg6[%swap3A, %swap3A_47] : memref<10000x40xf32, #tpu.memory_space<vmem>>, vector<10000x40xf32>
    tpu.vector_store %arg6[%swap3A, %swap3A_47], %sub3A_46 {strides = array<i32>} : memref<10000x40xf32, #tpu.memory_space<vmem>>, vector<10000x40xf32>,
    return
  }
  func.func @transform_0(%arg0: i32) -> (i32, i32, i32) {
    %c0_i32 = arith.constant 0 : i32
    %c0_i32_0 = arith.constant 0 : i32
    %c0_i32_1 = arith.constant 0 : i32
    return %c0_i32, %arg0, %c0_i32_0 : i32, i32, i32
  }
  func.func @transform_1(%arg0: i32) -> (i32, i32, i32) {
    %c0_i32 = arith.constant 0 : i32
    %c0_i32_0 = arith.constant 0 : i32
    %c0_i32_1 = arith.constant 0 : i32
    return %c0_i32, %arg0, %c0_i32_0 : i32, i32, i32
  }
  func.func @transform_2(%arg0: i32) -> (i32, i32) {
    %c0_i32 = arith.constant 0 : i32
    %c0_i32_0 = arith.constant 0 : i32
    return %arg0, %c0_i32 : i32, i32
  }
  func.func @transform_3(%arg0: i32) -> (i32, i32) {
    %c0_i32 = arith.constant 0 : i32
    %c0_i32_0 = arith.constant 0 : i32
    %c0_i32_1 = arith.constant 0 : i32
    return %c0_i32, %c0_i32_0 : i32, i32
  }
  func.func @transform_4(%arg0: i32) -> (i32, i32) {
    %c0_i32 = arith.constant 0 : i32
    %c0_i32_0 = arith.constant 0 : i32
    %c0_i32_1 = arith.constant 0 : i32
    return %c0_i32, %c0_i32_0 : i32, i32
  }
  func.func @transform_5(%arg0: i32) -> (i32, i32) {
    %c0_i32 = arith.constant 0 : i32
    %c0_i32_0 = arith.constant 0 : i32
    return %arg0, %c0_i32 : i32, i32
  }
}

</mosaic_0001>

<sc_bundles>
// kernel: kernel.10.cloned.1.call-start
scs
__scs_entry_jumppad:
0x0: {  	(pc) =	sbr.rel $0x88, $3  }
0x1: {  	(tag) =	ssettag $0x0;
	lr =	simm.s32 $0x1  }
0x2: {  	[smem:$0x3F99] =	sst lr;
	_ =	strace $0xD0000000  }
0x3: {  	_ = 	snop  }
0x4: {  	_ = 	snop  }
0x5: {  	_ = 	snop  }
0x6: {  	_ = 	snop  }
0x7: {  	_ = 	snop  }
__scs_overlays_trampoline_lowered:
0x8: {  	[smem:$0x3FA8] =	sst s0  }
0x9: {  	[smem:$0x3FA9] =	sst s1  }
0xa: {  	[smem:$0x3FAA] =	sst s2  }
0xb: {  	[smem:$0x3FAB] =	sst s3  }
0xc: {  	[smem:$0x3FAC] =	sst s4  }
0xd: {  	[smem:$0x3FAD] =	sst s5  }
0xe: {  	[smem:$0x3FAE] =	sst s6  }
0xf: {  	[smem:$0x3FAF] =	sst s7  }
0x10: {  	[smem:$0x3FB0] =	sst s8  }
0x11: {  	[smem:$0x3FB1] =	sst s9;
	s0 =	simm.s32 @!p0 $0x0  }
0x12: {  	s1 =	sld [smem:$0x3F97];
	s0 =	simm.s32 @p0 $0x1  }
0x13: {  	[smem:$0x3FB2] =	sst s0;
	s0 =	simm.s32 @!p1 $0x0  }
0x14: {  	s2 =	sld [smem:$0x3F96];
	s0 =	simm.s32 @p1 $0x1  }
0x15: {  	[smem:$0x3FB3] =	sst s0;
	s0 =	simm.s32 @!p2 $0x0  }
0x16: {  	s3 =	sld [smem:$0x3FDB];
	s0 =	simm.s32 @p2 $0x1  }
0x17: {  	s4 =	simm.s32 $0x1BF5;
	[smem:$0x3FB5] =	sst s0  }
0x18: {  	s0 =	sld [smem:$0x3F98];
	_ =	swait.ge [sflag:s4], $0x0  }
0x19: {  	s7 =	sld [smem:$0x3F99]  }
0x1a: {  	s8 =	sadd.s32 $0xFFFFE003, lr  }
0x1b: {  	s9 =	sadd.s32 $0xFFFFFEF7, lr;
	s5 =	simm.s32 $0xFFFFFFFF;
	p2 =	slt.u32 s8, $0xFFFFF086  }
0x1c: {  	p1 =	slt.u32 s9, $0xF7A;
	s5 =	simm.s32 @!p2 $0x0  }
0x1d: {  	s5 =	simm.s32 @p1 $0x1;
	p0 =	seq.s32 s7, s2  }
0x1e: {  	s7 =	smul.u32 @!p0 $0xF7A, s2;
	p2 =	seq.s32 @!p0 s5, $0x0  }
0x1f: {  	s9 =	smul.u32 $0xF7A, s1;
	s8 =	simm.s32 @!p0 $0x1BF5;
	p2 =	por !p2, p0  }
0x20: {  	[sflag:s8] =	ssyncset.s32 @!p0 $0xFFFFF086;
	s6 =	sadd.s32 @!p0 s3, s7;
	s7 =	simm.s32 @!p0 $0x108  }
0x21: {  	s3 =	sadd.s32 s3, s9;
	s6 =	sadd.s32 @!p0 $0x88, s6;
	s7 =	simm.s32 @p2 $0x1082  }
0x22: {  	[simem:s7], [sflag:s8] =	dma.local @!p0 [hbm:s6], $0xF7A  }
0x23: {  	s9 =	sor.u32 $0xD0000000, s2;
	s6 =	simm.s32 $0x108;
	_ =	swait.ge @!p0 [sflag:s8], $0x0  }
0x24: {  	s3 =	sadd.s32 $0x88, s3;
	s6 =	simm.s32 @!p1 $0x1082;
	[sflag:s4] =	ssyncset.s32 $0xFFFFF086  }
0x25: {  	[simem:s6], [sflag:s4] =	dma.local [hbm:s3], $0xF7A  }
0x26: {  	[smem:$0x3F99] =	sst s1;
	(tag) =	ssettag s2;
	_ =	strace s9  }
0x27: {  	s1 =	sld [smem:$0x3FA9]  }
0x28: {  	s2 =	sld [smem:$0x3FAA]  }
0x29: {  	s4 =	sld [smem:$0x3FAC]  }
0x2a: {  	p0 =	seq.s32 s5, $0x0;
	s5 =	sld [smem:$0x3FAD]  }
0x2b: {  	s6 =	sld [smem:$0x3FAE]  }
0x2c: {  	s7 =	sld [smem:$0x3FAF]  }
0x2d: {  	s3 =	simm.s32 $0x108;
	s8 =	sld [smem:$0x3FB0]  }
0x2e: {  	s3 =	simm.s32 @!p0 $0x1082;
	s9 =	sld [smem:$0x3FB1]  }
0x2f: {  	lr =	sadd.s32 s0, s3;
	s0 =	sld [smem:$0x3FA8]  }
0x30: {  	s3 =	sld [smem:$0x3FAB]  }
0x31: {  	[smem:$0x3FB4] =	sst s10  }
0x32: {  	s10 =	sld [smem:$0x3FB2];
	_ =	sdelay $0x3  }
0x33: {  	p0 =	seq.s32 s10, $0x1;
	s10 =	sld [smem:$0x3FB4];
	_ =	sdelay $0x3  }
0x34: {  	[smem:$0x3FB4] =	sst s10  }
0x35: {  	s10 =	sld [smem:$0x3FB3];
	_ =	sdelay $0x3  }
0x36: {  	p1 =	seq.s32 s10, $0x1;
	s10 =	sld [smem:$0x3FB4];
	_ =	sdelay $0x3  }
0x37: {  	[smem:$0x3FB4] =	sst s10  }
0x38: {  	s10 =	sld [smem:$0x3FB5]  }
0x39: {  	_ = 	snop;
	(pc) =	sbr.ind lr, $3  }
0x3a: {  	_ = 	snop  }
0x3b: {  	_ = 	snop  }
0x3c: {  	p2 =	seq.s32 s10, $0x1;
	s10 =	sld [smem:$0x3FB4]  }
0x3d: {  	_ =	shalt  }
0x3e: {  	_ =	shalt  }
0x3f: {  	_ =	shalt  }
0x40: {  	_ =	shalt  }
0x41: {  	_ =	shalt  }
0x42: {  	_ =	shalt  }
0x43: {  	_ =	shalt  }
0x44: {  	_ =	shalt  }
0x45: {  	_ =	shalt  }
0x46: {  	_ =	shalt  }
0x47: {  	_ =	shalt  }
0x48: {  	_ =	shalt  }
0x49: {  	_ =	shalt  }
0x4a: {  	_ =	shalt  }
0x4b: {  	_ =	shalt  }
0x4c: {  	_ =	shalt  }
0x4d: {  	_ =	shalt  }
0x4e: {  	_ =	shalt  }
0x4f: {  	_ =	shalt  }
0x50: {  	_ =	shalt  }
0x51: {  	_ =	shalt  }
0x52: {  	_ =	shalt  }
0x53: {  	_ =	shalt  }
0x54: {  	_ =	shalt  }
0x55: {  	_ =	shalt  }
0x56: {  	_ =	shalt  }
0x57: {  	_ =	shalt  }
0x58: {  	_ =	shalt  }
0x59: {  	_ =	shalt  }
0x5a: {  	_ =	shalt  }
0x5b: {  	_ =	shalt  }
0x5c: {  	_ =	shalt  }
0x5d: {  	_ =	shalt  }
0x5e: {  	_ =	shalt  }
0x5f: {  	_ =	shalt  }
0x60: {  	_ =	shalt  }
0x61: {  	_ =	shalt  }
0x62: {  	_ =	shalt  }
0x63: {  	_ =	shalt  }
0x64: {  	_ =	shalt  }
0x65: {  	_ =	shalt  }
0x66: {  	_ =	shalt  }
0x67: {  	_ =	shalt  }
0x68: {  	_ =	shalt  }
0x69: {  	_ =	shalt  }
0x6a: {  	_ =	shalt  }
0x6b: {  	_ =	shalt  }
0x6c: {  	_ =	shalt  }
0x6d: {  	_ =	shalt  }
0x6e: {  	_ =	shalt  }
0x6f: {  	_ =	shalt  }
0x70: {  	_ =	shalt  }
0x71: {  	_ =	shalt  }
0x72: {  	_ =	shalt  }
0x73: {  	_ =	shalt  }
0x74: {  	_ =	shalt  }
0x75: {  	_ =	shalt  }
0x76: {  	_ =	shalt  }
0x77: {  	_ =	shalt  }
0x78: {  	_ =	shalt  }
0x79: {  	_ =	shalt  }
0x7a: {  	_ =	shalt  }
0x7b: {  	_ =	shalt  }
0x7c: {  	_ =	shalt  }
0x7d: {  	_ =	shalt  }
0x7e: {  	_ =	shalt  }
0x7f: {  	_ =	shalt  }
0x80: {  	_ =	shalt  }
0x81: {  	_ =	shalt  }
0x82: {  	_ =	shalt  }
0x83: {  	_ =	shalt  }
0x84: {  	_ =	shalt  }
0x85: {  	_ =	shalt  }
0x86: {  	_ =	shalt  }
0x87: {  	_ =	shalt  }
.Lfunc_end0:
.L_simem_size_0:
called_computation_lowered:
.L_overlay_start_0:
0x88: {  	s2 =	sld [smem:$0x3FD9]  }
0x89: {  	s3 =	sld [smem:$0x3FFE];
	_ =	sdelay $0x1  }
0x8a: {  	s1 =	srdreg.scid  }
0x8b: {  	s0 =	sand.u32 $0x1, s1  }
0x8c: {  	s17 =	sshll.u32 s0, $0xA;
	s2 =	sadd.s32 s3, s2  }
0x8d: {  	s2 =	sadd.s32 s2, s17  }
0x8e: {  	[smem:$0x3FC0] =	sst s2  }
0x8f: {  	_ = 	snop  }
0x90: {  	s2 =	sld [smem:$0x3FD0];
	(tm) =	ssettm $0x1  }
0x91: {  	s18 =	sld [smem:$0x3FFB];
	_ =	sdelay $0x3  }
0x92: {  	_ =	strace s18  }
0x93: {  	s3 =	sld [smem:$0x3FFC];
	_ =	sdelay $0x3  }
0x94: {  	_ =	strace s3  }
0x95: {  	s3 =	sld [smem:$0x3FFD];
	_ =	sdelay $0x3  }
0x96: {  	_ =	strace s3  }
0x97: {  	_ =	strace $0x8FFFFFFF  }
0x98: {  	s19 =	sld [smem:$0x3FDB];
	_ =	sdelay $0x1  }
0x99: {  	s4 =	simm.s32 $_scs_section_size  }
0x9a: {  	s5 =	simm.s32 $_size__tile_overlayer_lowered;
	s6 =	simm.s32 $_tile_overlayer_lowered  }
0x9b: {  	s22 =	simm.s32 $0x1BFF;
	s21 =	sshll.u32 s6, $0x1;
	s3 =	sadd.s32 s4, s19  }
0x9c: {  	s7 =	simm.s32 $0x0;
	s20 =	sshll.u32 s5, $0x1;
	s5 =	sadd.s32 s21, s3  }
0x9d: {  	[timem:s7], [sflag:s22] =	dma.local [hbm:s5], s20  }
0x9e: {  	_ =	swait.ge [sflag:s22], s20  }
0x9f: {  	s4 =	ssub.s32 $0x0, s20;
	[sflag:s22] =	ssyncset.done $0x0  }
0xa0: {  	[sflag:s22] =	ssyncadd.s32 s4;
	_ =	sdelay $0x1  }
0xa1: {  	s23 =	simm.s32 $0x1B8B  }
0xa2: {  	_ =	swait.ge [sflag:s23], $0x1  }
0xa3: {  	[sflag:s23] =	ssyncset.done $0x0  }
0xa4: {  	s25 =	simm.s32 $0x1B8E;
	s24 =	sld [smem:$0x3FFE];
	[sflag:s23] =	ssyncadd.s32 $0xFFFFFFFF  }
0xa5: {  	s26 =	simm.s32 $execute0_lowered;
	[smem:$0x3FD2] =	sst s25  }
0xa6: {  	s5 =	sshll.u32 s26, $0x1;
	_ =	strace $0x80000046;
	[dreg:$0x1] =	wrdreg $0xFFFFFFFF  }
0xa7: {  	s28 =	simm.s32 $_size_execute0_lowered;
	s3 =	sadd.s32 s3, s5;
	[dreg:$0x0] =	wrdreg $0x0  }
0xa8: {  	s5 =	sshll.u32 s28, $0x1;
	[dreg:$0x2] =	wrdreg s3  }
0xa9: {  	[dreg:$0x3] =	wrdreg s5  }
0xaa: {  	[dreg:$0x4] =	wrdreg $0xC0  }
0xab: {  	_ =	task [dreg:s7], $0x5FFFF  }
0xac: {  	[dreg:$0x1] =	wrdreg $0xFFFFFFFF  }
0xad: {  	[dreg:$0x0] =	wrdreg $0x60  }
0xae: {  	[dreg:$0x2] =	wrdreg s2  }
0xaf: {  	[dreg:$0x3] =	wrdreg s24  }
0xb0: {  	[dreg:$0x4] =	wrdreg $0x2B800  }
0xb1: {  	[dreg:$0x5] =	wrdreg $0x9  }
0xb2: {  	_ =	task.clear_ibuf [dreg:s7], $0x6FFFF;
	_ =	strace $0x90000046  }
0xb3: {  	s29 =	simm.s32 $0x9;
	_ =	strace $0x80000048  }
0xb4: {  	_ =	swait.ge [sflag:s29], $0x1  }
0xb5: {  	[sflag:s29] =	ssyncadd.s32 $0xFFFFFFFF  }
0xb6: {  	_ =	strace $0x90000048  }
0xb7: {  	_ =	sfence  }
0xb8: {  	s30 =	sld [smem:$0x0];
	_ =	sdelay $0x2  }
0xb9: {  	s31 =	sshll.u32 s1, $0xD;
	s1 =	sshrl.u32 s1, $0x2  }
0xba: {  	s3 =	sand.u32 $0x4000, s31;
	s1 =	sadd.s32 s1, s30  }
0xbb: {  	s0 =	sor.u32 s3, s0;
	s1 =	sshll.u32 s1, $0x11  }
0xbc: {  	s0 =	sor.u32 s1, s0  }
0xbd: {  	s0 =	sadd.s32 $0x8F2B, s0  }
0xbe: {  	[sflag:s0] =	ssyncadd.remote.s32 $0x1  }
0xbf: {  	_ =	sfence.sel $0xFFFF  }
0xc0: {  	[dreg:$0x0] =	wrdreg $0xFFFFFFFF;
	(pc) =	sbr.abs _section_cstart, $3  }
0xc1: {  	[dreg:$0x1] =	wrdreg $0xFFFFFFFF  }
0xc2: {  	_ =	task.clear_ibuf [dreg:s7], $0x2FFFF;
	_ =	strace $0x9FFFFFFF  }
0xc3: {  	(tm) =	ssettm $0x7FFFFFFF  }
tec
execute0_lowered:
.L_overlay_start_1:
0x0: {  	(tag) =	ssettag $0x1  }
0x1: {  	s8 =	rddreg [dreg:$0x0]  }
0x2: {  	s5 =	rddreg [dreg:$0x1];
	s0 =	stileid.u32  }
0x3: {  	s1 =	srdreg.scid;
	s2 =	rddreg [dreg:$0x2]  }
0x4: {  	s3 =	simm.s32 $0x0;
	s14 =	simm.s32 $0x80;
	s15 =	simm.s32 $0x0  }
0x5: {  	s6 =	smul.u32 $0x2800, s0;
	s7 =	sand.u32 $0x1, s1;
	s1 =	rddreg [dreg:$0x3]  }
0x6: {  	[smem:$0x7FF] =	sst s3;
	s11 =	smul.u32 $0x4E, s0;
	s13 =	smin.u32 s0, $0x2  }
0x7: {  	p0 =	slt.u32 s0, $0x2;
	s30 =	sshll.u32 s0, $0x6;
	s4 =	smul.u32 $0x28000, s7  }
0x8: {  	_ =	strace $0x80000047;
	s28 =	ssub.s32 $0x2, s7;
	s7 =	ssub.s32 $0x0, s7  }
0x9: {  	s9 =	sshrl.u32 s6, $0x4;
	s12 =	sshrl.u32 s28, $0x1;
	s7 =	sand.u32 $0x4E2, s7  }
0xa: {  	s11 =	sadd.s32 s11, s13;
	s13 =	simm.s32 $0x2780;
	s10 =	sadd.s32 s6, s4  }
0xb: {  	s4 =	sadd.s32 $0x4400, s5;
	s9 =	sadd.s32 s9, s5;
	s12 =	ssub.s32 s28, s12  }
0xc: {  	s6 =	sshrl.u32 s6, $0x1;
	s7 =	sadd.s32 s7, s11;
	s10 =	sshrl.u32 s10, $0x4  }
0xd: {  	s29 =	sadd.s32 s6, s2;
	s6 =	sadd.s32 $0x1C00, s9;
	s31 =	sshll.u32 s7, $0x4  }
0xe: {  	s7 =	sor.u32 $0x1C01, s30;
	s10 =	sadd.s32 s10, s5;
	s5 =	simm.s32 $0x4F  }
0xf: {  	s8 =	sadd.s32 s8, s31;
	s11 =	sshrl.u32 s29, $0x3;
	s5 =	simm.s32 @!p0 $0x4E  }
0x10: {  	s9 =	sadd.s32 $0x4600, s10;
	s10 =	smax.u32 s12, $0x1;
	s12 =	simm.s32 $0x1  }
.LBB2_1:
0x11: {  	[spmem:s11], [sflag:s7] =	dma.local [hbm:s6], $0x280  }
0x12: {  	_ =	swait.ge [sflag:s12], $0x280  }
0x13: {  	[sflag:s12] =	ssyncset.done $0x0  }
0x14: {  	[sflag:s12] =	ssyncadd.s32 $0xFFFFFD80  }
0x15: {  	[tilespmem:s3], [sflag:$0x1] =	stream.linear.gather [hbm4b:s8+s3], $0x2780, $0x38;
	[tilespmem:$0x3F80] =	vst v63  }
0x16: {  	_ =	swait.ge [sflag:s12], $0x2780  }
0x17: {  	[sflag:s12] =	ssyncset.done $0x0  }
0x18: {  	[sflag:s12] =	ssyncadd.s32 $0xFFFFD880  }
0x19: {  	[tilespmem:s13], [sflag:$0x1] =	stream.linear.gather [hbm4b:s4+s3], $0x400, $0x38;
	[tilespmem:$0x3F80] =	vst v63  }
0x1a: {  	_ =	swait.ge [sflag:s12], $0x400  }
0x1b: {  	p0 =	sne.s32 s5, $0x1;
	[sflag:s12] =	ssyncset.done $0x0  }
.Ltmp0:
0x1c: {  	[sflag:s12] =	ssyncadd.s32 $0xFFFFFC00;
	(pc) =	sbr.rel @!p0 .LBB2_3-.Ltmp0, $4  }
0x1d: {  	[bflag:$0x0] =	sbarrier.arrive $0xFFFF  }
0x1e: {  	[spmem:s2] =	stream.indirect.scatter.add.bf16 [tilespmem:s13], [sflag:$0x1], $0x8, s3, s14, $0xb8;
	[tilespmem:$0x3F80] =	vst v63  }
0x1f: {  	_ =	swait.ge [sflag:s12], $0x400  }
0x20: {  	s16 =	sadd.s32 $0xFFFFFFFF, s5;
	s17 =	simm.s32 $0x0;
	[sflag:s12] =	ssyncset.done $0x0  }
.LBB2_2:
0x21: {  	p0 =	sne.s32 s16, $0x1;
	[sflag:s12] =	ssyncadd.s32 $0xFFFFFC00;
	s17 =	sadd.s32 $0x80, s17  }
.Ltmp1:
0x22: {  	s16 =	sadd.s32 $0xFFFFFFFF, s16;
	(pc) =	sbr.rel @p0 .LBB2_2-.Ltmp1, $4  }
0x23: {  	_ = 	snop  }
0x24: {  	[spmem:s2] =	stream.indirect.scatter.add.bf16 [tilespmem:s13], [sflag:$0x1], $0x8, s17, s14, $0xb8;
	[tilespmem:$0x3F80] =	vst v63  }
0x25: {  	_ =	swait.ge [sflag:s12], $0x400  }
0x26: {  	[sflag:s12] =	ssyncset.done $0x0  }
.LBB2_3:
0x27: {  	s15 =	sadd.s32 $0x1, s15  }
0x28: {  	[sflag:s12] =	ssyncadd.s32 $0xFFFFFC00;
	p0 =	sne.s32 s15, s10  }
.Ltmp2:
0x29: {  	[bflag:$0x0] =	sbarrier.arrive $0xFFFF;
	(pc) =	sbr.rel @p0 .LBB2_1-.Ltmp2, $4  }
0x2a: {  	[hbm:s9], [sflag:s7] =	dma.local [spmem:s11], $0x280  }
0x2b: {  	_ =	swait.ge [sflag:s12], $0x280  }
0x2c: {  	[sflag:s12] =	ssyncset.done $0x0  }
0x2d: {  	[sflag:s12] =	ssyncadd.s32 $0xFFFFFD80  }
0x2e: {  	_ =	sfence.sel $0x180000  }
0x2f: {  	[bflag:$0x0] =	sbarrier.arrive $0xFFFF  }
0x30: {  	p0 =	sne.s32 s0, $0x0;
	_ =	strace $0x90000047  }
0x31: {  	s0 =	sadd.s32 @!p0 $0x100000, s1;
	[bflag:$0x2] =	sbarrier.arrive $0xFFFF  }
0x32: {  	[sflag:s0] =	ssyncadd.tile.s32 @!p0 $0x1;
	_ =	shalt  }
.Lfunc_end2:
_tile_overlayer_lowered:
.L_overlay_start_2:
0x33: {  	(tag) =	ssettag $0x2  }
0x34: {  	s0 =	rddreg [dreg:$0x0];
	s2 =	stileid.u32  }
0x35: {  	s1 =	rddreg [dreg:$0x1];
	p0 =	sne.s32 s2, $0x0  }
0x36: {  	s3 =	rddreg [dreg:$0x2];
	[bflag:$0x3] =	sbarrier.arrive $0xFFFF;
	s2 =	simm.s32 @!p0 $0x1C01  }
0x37: {  	[timem:s3], [sflag:s2] =	dma.local @!p0 [hbm:s0], s1  }
0x38: {  	s0 =	simm.s32 @!p0 $0x1  }
0x39: {  	_ =	swait.ge @!p0 [sflag:s0], s1  }
0x3a: {  	s1 =	ssub.s32 @!p0 $0x0, s1;
	[sflag:s0] =	ssyncset.done @!p0 $0x0  }
0x3b: {  	[sflag:s0] =	ssyncadd.s32 @!p0 s1  }
0x3c: {  	[bflag:$0x3] =	sbarrier.arrive $0xFFFF  }
0x3d: {  	_ =	shalt  }

// kernel: kernel.13.cloned.1.call-start
scs
__scs_entry_jumppad:
0x0: {  	(pc) =	sbr.rel $0x88, $3  }
0x1: {  	(tag) =	ssettag $0x0;
	lr =	simm.s32 $0x1  }
0x2: {  	[smem:$0x3F99] =	sst lr;
	_ =	strace $0xD0000000  }
0x3: {  	_ = 	snop  }
0x4: {  	_ = 	snop  }
0x5: {  	_ = 	snop  }
0x6: {  	_ = 	snop  }
0x7: {  	_ = 	snop  }
__scs_overlays_trampoline_lowered:
0x8: {  	[smem:$0x3FA8] =	sst s0  }
0x9: {  	[smem:$0x3FA9] =	sst s1  }
0xa: {  	[smem:$0x3FAA] =	sst s2  }
0xb: {  	[smem:$0x3FAB] =	sst s3  }
0xc: {  	[smem:$0x3FAC] =	sst s4  }
0xd: {  	[smem:$0x3FAD] =	sst s5  }
0xe: {  	[smem:$0x3FAE] =	sst s6  }
0xf: {  	[smem:$0x3FAF] =	sst s7  }
0x10: {  	[smem:$0x3FB0] =	sst s8  }
0x11: {  	[smem:$0x3FB1] =	sst s9;
	s0 =	simm.s32 @!p0 $0x0  }
0x12: {  	s1 =	sld [smem:$0x3F97];
	s0 =	simm.s32 @p0 $0x1  }
0x13: {  	[smem:$0x3FB2] =	sst s0;
	s0 =	simm.s32 @!p1 $0x0  }
0x14: {  	s2 =	sld [smem:$0x3F96];
	s0 =	simm.s32 @p1 $0x1  }
0x15: {  	[smem:$0x3FB3] =	sst s0;
	s0 =	simm.s32 @!p2 $0x0  }
0x16: {  	s3 =	sld [smem:$0x3FDB];
	s0 =	simm.s32 @p2 $0x1  }
0x17: {  	s4 =	simm.s32 $0x1BF5;
	[smem:$0x3FB5] =	sst s0  }
0x18: {  	s0 =	sld [smem:$0x3F98];
	_ =	swait.ge [sflag:s4], $0x0  }
0x19: {  	s7 =	sld [smem:$0x3F99]  }
0x1a: {  	s8 =	sadd.s32 $0xFFFFE003, lr  }
0x1b: {  	s9 =	sadd.s32 $0xFFFFFEF7, lr;
	s5 =	simm.s32 $0xFFFFFFFF;
	p2 =	slt.u32 s8, $0xFFFFF086  }
0x1c: {  	p1 =	slt.u32 s9, $0xF7A;
	s5 =	simm.s32 @!p2 $0x0  }
0x1d: {  	s5 =	simm.s32 @p1 $0x1;
	p0 =	seq.s32 s7, s2  }
0x1e: {  	s7 =	smul.u32 @!p0 $0xF7A, s2;
	p2 =	seq.s32 @!p0 s5, $0x0  }
0x1f: {  	s9 =	smul.u32 $0xF7A, s1;
	s8 =	simm.s32 @!p0 $0x1BF5;
	p2 =	por !p2, p0  }
0x20: {  	[sflag:s8] =	ssyncset.s32 @!p0 $0xFFFFF086;
	s6 =	sadd.s32 @!p0 s3, s7;
	s7 =	simm.s32 @!p0 $0x108  }
0x21: {  	s3 =	sadd.s32 s3, s9;
	s6 =	sadd.s32 @!p0 $0x88, s6;
	s7 =	simm.s32 @p2 $0x1082  }
0x22: {  	[simem:s7], [sflag:s8] =	dma.local @!p0 [hbm:s6], $0xF7A  }
0x23: {  	s9 =	sor.u32 $0xD0000000, s2;
	s6 =	simm.s32 $0x108;
	_ =	swait.ge @!p0 [sflag:s8], $0x0  }
0x24: {  	s3 =	sadd.s32 $0x88, s3;
	s6 =	simm.s32 @!p1 $0x1082;
	[sflag:s4] =	ssyncset.s32 $0xFFFFF086  }
0x25: {  	[simem:s6], [sflag:s4] =	dma.local [hbm:s3], $0xF7A  }
0x26: {  	[smem:$0x3F99] =	sst s1;
	(tag) =	ssettag s2;
	_ =	strace s9  }
0x27: {  	s1 =	sld [smem:$0x3FA9]  }
0x28: {  	s2 =	sld [smem:$0x3FAA]  }
0x29: {  	s4 =	sld [smem:$0x3FAC]  }
0x2a: {  	p0 =	seq.s32 s5, $0x0;
	s5 =	sld [smem:$0x3FAD]  }
0x2b: {  	s6 =	sld [smem:$0x3FAE]  }
0x2c: {  	s7 =	sld [smem:$0x3FAF]  }
0x2d: {  	s3 =	simm.s32 $0x108;
	s8 =	sld [smem:$0x3FB0]  }
0x2e: {  	s3 =	simm.s32 @!p0 $0x1082;
	s9 =	sld [smem:$0x3FB1]  }
0x2f: {  	lr =	sadd.s32 s0, s3;
	s0 =	sld [smem:$0x3FA8]  }
0x30: {  	s3 =	sld [smem:$0x3FAB]  }
0x31: {  	[smem:$0x3FB4] =	sst s10  }
0x32: {  	s10 =	sld [smem:$0x3FB2];
	_ =	sdelay $0x3  }
0x33: {  	p0 =	seq.s32 s10, $0x1;
	s10 =	sld [smem:$0x3FB4];
	_ =	sdelay $0x3  }
0x34: {  	[smem:$0x3FB4] =	sst s10  }
0x35: {  	s10 =	sld [smem:$0x3FB3];
	_ =	sdelay $0x3  }
0x36: {  	p1 =	seq.s32 s10, $0x1;
	s10 =	sld [smem:$0x3FB4];
	_ =	sdelay $0x3  }
0x37: {  	[smem:$0x3FB4] =	sst s10  }
0x38: {  	s10 =	sld [smem:$0x3FB5]  }
0x39: {  	_ = 	snop;
	(pc) =	sbr.ind lr, $3  }
0x3a: {  	_ = 	snop  }
0x3b: {  	_ = 	snop  }
0x3c: {  	p2 =	seq.s32 s10, $0x1;
	s10 =	sld [smem:$0x3FB4]  }
0x3d: {  	_ =	shalt  }
0x3e: {  	_ =	shalt  }
0x3f: {  	_ =	shalt  }
0x40: {  	_ =	shalt  }
0x41: {  	_ =	shalt  }
0x42: {  	_ =	shalt  }
0x43: {  	_ =	shalt  }
0x44: {  	_ =	shalt  }
0x45: {  	_ =	shalt  }
0x46: {  	_ =	shalt  }
0x47: {  	_ =	shalt  }
0x48: {  	_ =	shalt  }
0x49: {  	_ =	shalt  }
0x4a: {  	_ =	shalt  }
0x4b: {  	_ =	shalt  }
0x4c: {  	_ =	shalt  }
0x4d: {  	_ =	shalt  }
0x4e: {  	_ =	shalt  }
0x4f: {  	_ =	shalt  }
0x50: {  	_ =	shalt  }
0x51: {  	_ =	shalt  }
0x52: {  	_ =	shalt  }
0x53: {  	_ =	shalt  }
0x54: {  	_ =	shalt  }
0x55: {  	_ =	shalt  }
0x56: {  	_ =	shalt  }
0x57: {  	_ =	shalt  }
0x58: {  	_ =	shalt  }
0x59: {  	_ =	shalt  }
0x5a: {  	_ =	shalt  }
0x5b: {  	_ =	shalt  }
0x5c: {  	_ =	shalt  }
0x5d: {  	_ =	shalt  }
0x5e: {  	_ =	shalt  }
0x5f: {  	_ =	shalt  }
0x60: {  	_ =	shalt  }
0x61: {  	_ =	shalt  }
0x62: {  	_ =	shalt  }
0x63: {  	_ =	shalt  }
0x64: {  	_ =	shalt  }
0x65: {  	_ =	shalt  }
0x66: {  	_ =	shalt  }
0x67: {  	_ =	shalt  }
0x68: {  	_ =	shalt  }
0x69: {  	_ =	shalt  }
0x6a: {  	_ =	shalt  }
0x6b: {  	_ =	shalt  }
0x6c: {  	_ =	shalt  }
0x6d: {  	_ =	shalt  }
0x6e: {  	_ =	shalt  }
0x6f: {  	_ =	shalt  }
0x70: {  	_ =	shalt  }
0x71: {  	_ =	shalt  }
0x72: {  	_ =	shalt  }
0x73: {  	_ =	shalt  }
0x74: {  	_ =	shalt  }
0x75: {  	_ =	shalt  }
0x76: {  	_ =	shalt  }
0x77: {  	_ =	shalt  }
0x78: {  	_ =	shalt  }
0x79: {  	_ =	shalt  }
0x7a: {  	_ =	shalt  }
0x7b: {  	_ =	shalt  }
0x7c: {  	_ =	shalt  }
0x7d: {  	_ =	shalt  }
0x7e: {  	_ =	shalt  }
0x7f: {  	_ =	shalt  }
0x80: {  	_ =	shalt  }
0x81: {  	_ =	shalt  }
0x82: {  	_ =	shalt  }
0x83: {  	_ =	shalt  }
0x84: {  	_ =	shalt  }
0x85: {  	_ =	shalt  }
0x86: {  	_ =	shalt  }
0x87: {  	_ =	shalt  }
.Lfunc_end0:
.L_simem_size_0:
called_computation.1_lowered:
.L_overlay_start_0:
0x88: {  	s2 =	sld [smem:$0x3FD9]  }
0x89: {  	s3 =	sld [smem:$0x3FFE];
	_ =	sdelay $0x1  }
0x8a: {  	s1 =	srdreg.scid  }
0x8b: {  	s0 =	sand.u32 $0x1, s1  }
0x8c: {  	s17 =	sshll.u32 s0, $0xA;
	s2 =	sadd.s32 s3, s2  }
0x8d: {  	s2 =	sadd.s32 s2, s17  }
0x8e: {  	[smem:$0x3FC0] =	sst s2  }
0x8f: {  	_ = 	snop  }
0x90: {  	s2 =	sld [smem:$0x3FD0];
	(tm) =	ssettm $0x1  }
0x91: {  	s18 =	sld [smem:$0x3FFB];
	_ =	sdelay $0x3  }
0x92: {  	_ =	strace s18  }
0x93: {  	s3 =	sld [smem:$0x3FFC];
	_ =	sdelay $0x3  }
0x94: {  	_ =	strace s3  }
0x95: {  	s3 =	sld [smem:$0x3FFD];
	_ =	sdelay $0x3  }
0x96: {  	_ =	strace s3  }
0x97: {  	_ =	strace $0x8FFFFFFF  }
0x98: {  	s19 =	sld [smem:$0x3FDB];
	_ =	sdelay $0x1  }
0x99: {  	s4 =	simm.s32 $_scs_section_size  }
0x9a: {  	s5 =	simm.s32 $_size__tile_overlayer_lowered;
	s6 =	simm.s32 $_tile_overlayer_lowered  }
0x9b: {  	s22 =	simm.s32 $0x1BFF;
	s21 =	sshll.u32 s6, $0x1;
	s3 =	sadd.s32 s4, s19  }
0x9c: {  	s7 =	simm.s32 $0x0;
	s20 =	sshll.u32 s5, $0x1;
	s5 =	sadd.s32 s21, s3  }
0x9d: {  	[timem:s7], [sflag:s22] =	dma.local [hbm:s5], s20  }
0x9e: {  	_ =	swait.ge [sflag:s22], s20  }
0x9f: {  	s4 =	ssub.s32 $0x0, s20;
	[sflag:s22] =	ssyncset.done $0x0  }
0xa0: {  	[sflag:s22] =	ssyncadd.s32 s4;
	_ =	sdelay $0x1  }
0xa1: {  	s23 =	simm.s32 $0x1B8B  }
0xa2: {  	_ =	swait.ge [sflag:s23], $0x1  }
0xa3: {  	[sflag:s23] =	ssyncset.done $0x0  }
0xa4: {  	s25 =	simm.s32 $0x1B8E;
	s24 =	sld [smem:$0x3FFE];
	[sflag:s23] =	ssyncadd.s32 $0xFFFFFFFF  }
0xa5: {  	s26 =	simm.s32 $execute0_lowered;
	[smem:$0x3FD2] =	sst s25  }
0xa6: {  	s5 =	sshll.u32 s26, $0x1;
	_ =	strace $0x80000049;
	[dreg:$0x1] =	wrdreg $0xFFFFFFFF  }
0xa7: {  	s28 =	simm.s32 $_size_execute0_lowered;
	s3 =	sadd.s32 s3, s5;
	[dreg:$0x0] =	wrdreg $0x0  }
0xa8: {  	s5 =	sshll.u32 s28, $0x1;
	[dreg:$0x2] =	wrdreg s3  }
0xa9: {  	[dreg:$0x3] =	wrdreg s5  }
0xaa: {  	[dreg:$0x4] =	wrdreg $0xC0  }
0xab: {  	_ =	task [dreg:s7], $0x5FFFF  }
0xac: {  	[dreg:$0x1] =	wrdreg $0xFFFFFFFF  }
0xad: {  	[dreg:$0x0] =	wrdreg $0x60  }
0xae: {  	[dreg:$0x2] =	wrdreg s24  }
0xaf: {  	[dreg:$0x3] =	wrdreg s2  }
0xb0: {  	[dreg:$0x4] =	wrdreg $0x5F000  }
0xb1: {  	[dreg:$0x5] =	wrdreg $0x9  }
0xb2: {  	_ =	task.clear_ibuf [dreg:s7], $0x6FFFF;
	_ =	strace $0x90000049  }
0xb3: {  	s29 =	simm.s32 $0x9;
	_ =	strace $0x8000004B  }
0xb4: {  	_ =	swait.ge [sflag:s29], $0x1  }
0xb5: {  	[sflag:s29] =	ssyncadd.s32 $0xFFFFFFFF  }
0xb6: {  	_ =	strace $0x9000004B  }
0xb7: {  	_ =	sfence  }
0xb8: {  	s30 =	sld [smem:$0x0];
	_ =	sdelay $0x2  }
0xb9: {  	s31 =	sshll.u32 s1, $0xD;
	s1 =	sshrl.u32 s1, $0x2  }
0xba: {  	s3 =	sand.u32 $0x4000, s31;
	s1 =	sadd.s32 s1, s30  }
0xbb: {  	s0 =	sor.u32 s3, s0;
	s1 =	sshll.u32 s1, $0x11  }
0xbc: {  	s0 =	sor.u32 s1, s0  }
0xbd: {  	s0 =	sadd.s32 $0x8F2B, s0  }
0xbe: {  	[sflag:s0] =	ssyncadd.remote.s32 $0x1  }
0xbf: {  	_ =	sfence.sel $0xFFFF  }
0xc0: {  	[dreg:$0x0] =	wrdreg $0xFFFFFFFF;
	(pc) =	sbr.abs _section_cstart, $3  }
0xc1: {  	[dreg:$0x1] =	wrdreg $0xFFFFFFFF  }
0xc2: {  	_ =	task.clear_ibuf [dreg:s7], $0x2FFFF;
	_ =	strace $0x9FFFFFFF  }
0xc3: {  	(tm) =	ssettm $0x7FFFFFFF  }
tec
execute0_lowered:
.L_overlay_start_1:
0x0: {  	(tag) =	ssettag $0x1  }
0x1: {  	s5 =	rddreg [dreg:$0x0]  }
0x2: {  	s9 =	rddreg [dreg:$0x1]  }
0x3: {  	s2 =	rddreg [dreg:$0x2]  }
0x4: {  	s3 =	srdreg.scid;
	s1 =	stileid.u32  }
0x5: {  	s0 =	rddreg [dreg:$0x3];
	s16 =	simm.s32 $0x1;
	s17 =	simm.s32 $0x0  }
0x6: {  	s6 =	sand.u32 $0x1, s3;
	s4 =	smul.u32 $0x4E, s1;
	s3 =	simm.s32 $0x0  }
0x7: {  	s8 =	smin.u32 s1, $0x2;
	s26 =	smul.u32 $0xA000, s1;
	p0 =	slt.u32 s1, $0x2  }
0x8: {  	s31 =	sshll.u32 s1, $0x6;
	s7 =	ssub.s32 $0x0, s6;
	[smem:$0x7FF] =	sst s3  }
0x9: {  	s10 =	smul.u32 $0xA0000, s6;
	s6 =	ssub.s32 $0x2, s6;
	s7 =	sand.u32 $0x4E2, s7  }
0xa: {  	s4 =	sadd.s32 s4, s8;
	_ =	strace $0x8000004A;
	s29 =	sshrl.u32 s26, $0x4  }
0xb: {  	s13 =	sshrl.u32 s6, $0x1;
	s30 =	sshrl.u32 s26, $0x1;
	s7 =	sadd.s32 s7, s4  }
0xc: {  	s4 =	sadd.s32 $0x1D800, s5;
	s28 =	sadd.s32 s26, s10;
	s10 =	sadd.s32 s29, s5  }
0xd: {  	s13 =	ssub.s32 s6, s13;
	s15 =	sadd.s32 s30, s2;
	s11 =	sshll.u32 s7, $0x4  }
0xe: {  	s7 =	sshrl.u32 s28, $0x4;
	s6 =	sadd.s32 $0x13800, s10;
	s12 =	sadd.s32 s11, s5  }
0xf: {  	s14 =	sadd.s32 s7, s5;
	s5 =	simm.s32 $0x4F;
	s7 =	sor.u32 $0x1C02, s31  }
0x10: {  	s9 =	sadd.s32 s9, s11;
	s11 =	smax.u32 s13, $0x1;
	s13 =	simm.s32 $0x2  }
0x11: {  	s5 =	simm.s32 @!p0 $0x4E;
	s8 =	sadd.s32 $0x9600, s12;
	s10 =	sadd.s32 $0x27800, s14  }
0x12: {  	s12 =	sshrl.u32 s15, $0x3;
	s14 =	simm.s32 $0x80;
	s15 =	simm.s32 $0x4F00  }
.LBB2_1:
0x13: {  	[spmem:s12], [sflag:s7] =	dma.local [hbm:s6], $0xA00  }
0x14: {  	_ =	swait.ge [sflag:s13], $0xA00  }
0x15: {  	[sflag:s13] =	ssyncset.done $0x0  }
0x16: {  	[sflag:s13] =	ssyncadd.s32 $0xFFFFF600  }
0x17: {  	[tilespmem:s3], [sflag:$0x2] =	stream.linear.gather [hbm4b:s8+s3], $0x2780, $0x38;
	[tilespmem:$0xAF00] =	vst v63  }
0x18: {  	_ =	swait.ge [sflag:s13], $0x2780  }
0x19: {  	[sflag:s13] =	ssyncset.done $0x0  }
0x1a: {  	s18 =	simm.s32 $0x2780;
	[sflag:s13] =	ssyncadd.s32 $0xFFFFD880  }
0x1b: {  	[tilespmem:s18], [sflag:$0x2] =	stream.linear.gather [hbm4b:s9+s3], $0x2780, $0x38;
	[tilespmem:$0xAF00] =	vst v63  }
0x1c: {  	_ =	swait.ge [sflag:s13], $0x2780  }
0x1d: {  	[sflag:s13] =	ssyncset.done $0x0  }
0x1e: {  	[sflag:s13] =	ssyncadd.s32 $0xFFFFD880  }
0x1f: {  	[bflag:$0x0] =	sbarrier.arrive $0xFFFF  }
0x20: {  	[tilespmem:s15], [sflag:$0x1] =	stream.indirect.gather [hbm4b:s4+s14], $0x20, s3, s14, $0xb8;
	[tilespmem:$0xAF00] =	vst v63  }
0x21: {  	p0 =	sne.s32 s5, $0x1;
	_ =	swait.ge [sflag:s16], $0x1000  }
.Ltmp0:
0x22: {  	[sflag:s16] =	ssyncset.done $0x0;
	(pc) =	sbr.rel @!p0 .LBB2_3-.Ltmp0, $4  }
0x23: {  	[sflag:s16] =	ssyncadd.s32 $0xFFFFF000  }
0x24: {  	[spmem:s2] =	stream.indirect.scatter.add.bf16 [tilespmem:s15], [sflag:$0x2], $0x20, s18, s14, $0xb8;
	[tilespmem:$0xAF00] =	vst v63  }
0x25: {  	_ =	swait.ge [sflag:s13], $0x1000  }
0x26: {  	s19 =	sadd.s32 $0xFFFFFFFF, s5;
	s20 =	simm.s32 $0x0;
	[sflag:s13] =	ssyncset.done $0x0  }
.LBB2_2:
0x27: {  	[sflag:s13] =	ssyncadd.s32 $0xFFFFF000;
	s20 =	sadd.s32 $0x80, s20;
	s18 =	sadd.s32 $0x80, s18  }
0x28: {  	[tilespmem:s15], [sflag:$0x1] =	stream.indirect.gather [hbm4b:s4+s14], $0x20, s20, s14, $0xb8;
	[tilespmem:$0xAF00] =	vst v63  }
0x29: {  	p0 =	sne.s32 s19, $0x1;
	s19 =	sadd.s32 $0xFFFFFFFF, s19;
	_ =	swait.ge [sflag:s16], $0x1000  }
.Ltmp1:
0x2a: {  	[sflag:s16] =	ssyncset.done $0x0;
	(pc) =	sbr.rel @p0 .LBB2_2-.Ltmp1, $4  }
0x2b: {  	[sflag:s16] =	ssyncadd.s32 $0xFFFFF000  }
0x2c: {  	[spmem:s2] =	stream.indirect.scatter.add.bf16 [tilespmem:s15], [sflag:$0x2], $0x20, s18, s14, $0xb8;
	[tilespmem:$0xAF00] =	vst v63  }
0x2d: {  	_ =	swait.ge [sflag:s13], $0x1000  }
0x2e: {  	[sflag:s13] =	ssyncset.done $0x0  }
.LBB2_3:
0x2f: {  	s17 =	sadd.s32 $0x1, s17  }
0x30: {  	[sflag:s13] =	ssyncadd.s32 $0xFFFFF000;
	p0 =	sne.s32 s17, s11  }
.Ltmp2:
0x31: {  	[bflag:$0x0] =	sbarrier.arrive $0xFFFF;
	(pc) =	sbr.rel @p0 .LBB2_1-.Ltmp2, $4  }
0x32: {  	[hbm:s10], [sflag:s7] =	dma.local [spmem:s12], $0xA00  }
0x33: {  	_ =	swait.ge [sflag:s13], $0xA00  }
0x34: {  	[sflag:s13] =	ssyncset.done $0x0  }
0x35: {  	[sflag:s13] =	ssyncadd.s32 $0xFFFFF600  }
0x36: {  	_ =	sfence.sel $0x180000  }
0x37: {  	[bflag:$0x0] =	sbarrier.arrive $0xFFFF  }
0x38: {  	p0 =	sne.s32 s1, $0x0;
	_ =	strace $0x9000004A  }
0x39: {  	s0 =	sadd.s32 @!p0 $0x100000, s0;
	[bflag:$0x2] =	sbarrier.arrive $0xFFFF  }
0x3a: {  	[sflag:s0] =	ssyncadd.tile.s32 @!p0 $0x1;
	_ =	shalt  }
.Lfunc_end2:
_tile_overlayer_lowered:
.L_overlay_start_2:
0x3b: {  	(tag) =	ssettag $0x2  }
0x3c: {  	s0 =	rddreg [dreg:$0x0];
	s2 =	stileid.u32  }
0x3d: {  	s1 =	rddreg [dreg:$0x1];
	p0 =	sne.s32 s2, $0x0  }
0x3e: {  	s3 =	rddreg [dreg:$0x2];
	[bflag:$0x3] =	sbarrier.arrive $0xFFFF;
	s2 =	simm.s32 @!p0 $0x1C02  }
0x3f: {  	[timem:s3], [sflag:s2] =	dma.local @!p0 [hbm:s0], s1  }
0x40: {  	s0 =	simm.s32 @!p0 $0x2  }
0x41: {  	_ =	swait.ge @!p0 [sflag:s0], s1  }
0x42: {  	s1 =	ssub.s32 @!p0 $0x0, s1;
	[sflag:s0] =	ssyncset.done @!p0 $0x0  }
0x43: {  	[sflag:s0] =	ssyncadd.s32 @!p0 s1  }
0x44: {  	[bflag:$0x3] =	sbarrier.arrive $0xFFFF  }
0x45: {  	_ =	shalt  }

// kernel: kernel.16.cloned.1.call-start
scs
__scs_entry_jumppad:
0x0: {  	(pc) =	sbr.rel $0x88, $3  }
0x1: {  	(tag) =	ssettag $0x0;
	lr =	simm.s32 $0x1  }
0x2: {  	[smem:$0x3F99] =	sst lr;
	_ =	strace $0xD0000000  }
0x3: {  	_ = 	snop  }
0x4: {  	_ = 	snop  }
0x5: {  	_ = 	snop  }
0x6: {  	_ = 	snop  }
0x7: {  	_ = 	snop  }
__scs_overlays_trampoline_lowered:
0x8: {  	[smem:$0x3FA8] =	sst s0  }
0x9: {  	[smem:$0x3FA9] =	sst s1  }
0xa: {  	[smem:$0x3FAA] =	sst s2  }
0xb: {  	[smem:$0x3FAB] =	sst s3  }
0xc: {  	[smem:$0x3FAC] =	sst s4  }
0xd: {  	[smem:$0x3FAD] =	sst s5  }
0xe: {  	[smem:$0x3FAE] =	sst s6  }
0xf: {  	[smem:$0x3FAF] =	sst s7  }
0x10: {  	[smem:$0x3FB0] =	sst s8  }
0x11: {  	[smem:$0x3FB1] =	sst s9;
	s0 =	simm.s32 @!p0 $0x0  }
0x12: {  	s1 =	sld [smem:$0x3F97];
	s0 =	simm.s32 @p0 $0x1  }
0x13: {  	[smem:$0x3FB2] =	sst s0;
	s0 =	simm.s32 @!p1 $0x0  }
0x14: {  	s2 =	sld [smem:$0x3F96];
	s0 =	simm.s32 @p1 $0x1  }
0x15: {  	[smem:$0x3FB3] =	sst s0;
	s0 =	simm.s32 @!p2 $0x0  }
0x16: {  	s3 =	sld [smem:$0x3FDB];
	s0 =	simm.s32 @p2 $0x1  }
0x17: {  	s4 =	simm.s32 $0x1BF5;
	[smem:$0x3FB5] =	sst s0  }
0x18: {  	s0 =	sld [smem:$0x3F98];
	_ =	swait.ge [sflag:s4], $0x0  }
0x19: {  	s7 =	sld [smem:$0x3F99]  }
0x1a: {  	s8 =	sadd.s32 $0xFFFFE003, lr  }
0x1b: {  	s9 =	sadd.s32 $0xFFFFFEF7, lr;
	s5 =	simm.s32 $0xFFFFFFFF;
	p2 =	slt.u32 s8, $0xFFFFF086  }
0x1c: {  	p1 =	slt.u32 s9, $0xF7A;
	s5 =	simm.s32 @!p2 $0x0  }
0x1d: {  	s5 =	simm.s32 @p1 $0x1;
	p0 =	seq.s32 s7, s2  }
0x1e: {  	s7 =	smul.u32 @!p0 $0xF7A, s2;
	p2 =	seq.s32 @!p0 s5, $0x0  }
0x1f: {  	s9 =	smul.u32 $0xF7A, s1;
	s8 =	simm.s32 @!p0 $0x1BF5;
	p2 =	por !p2, p0  }
0x20: {  	[sflag:s8] =	ssyncset.s32 @!p0 $0xFFFFF086;
	s6 =	sadd.s32 @!p0 s3, s7;
	s7 =	simm.s32 @!p0 $0x108  }
0x21: {  	s3 =	sadd.s32 s3, s9;
	s6 =	sadd.s32 @!p0 $0x88, s6;
	s7 =	simm.s32 @p2 $0x1082  }
0x22: {  	[simem:s7], [sflag:s8] =	dma.local @!p0 [hbm:s6], $0xF7A  }
0x23: {  	s9 =	sor.u32 $0xD0000000, s2;
	s6 =	simm.s32 $0x108;
	_ =	swait.ge @!p0 [sflag:s8], $0x0  }
0x24: {  	s3 =	sadd.s32 $0x88, s3;
	s6 =	simm.s32 @!p1 $0x1082;
	[sflag:s4] =	ssyncset.s32 $0xFFFFF086  }
0x25: {  	[simem:s6], [sflag:s4] =	dma.local [hbm:s3], $0xF7A  }
0x26: {  	[smem:$0x3F99] =	sst s1;
	(tag) =	ssettag s2;
	_ =	strace s9  }
0x27: {  	s1 =	sld [smem:$0x3FA9]  }
0x28: {  	s2 =	sld [smem:$0x3FAA]  }
0x29: {  	s4 =	sld [smem:$0x3FAC]  }
0x2a: {  	p0 =	seq.s32 s5, $0x0;
	s5 =	sld [smem:$0x3FAD]  }
0x2b: {  	s6 =	sld [smem:$0x3FAE]  }
0x2c: {  	s7 =	sld [smem:$0x3FAF]  }
0x2d: {  	s3 =	simm.s32 $0x108;
	s8 =	sld [smem:$0x3FB0]  }
0x2e: {  	s3 =	simm.s32 @!p0 $0x1082;
	s9 =	sld [smem:$0x3FB1]  }
0x2f: {  	lr =	sadd.s32 s0, s3;
	s0 =	sld [smem:$0x3FA8]  }
0x30: {  	s3 =	sld [smem:$0x3FAB]  }
0x31: {  	[smem:$0x3FB4] =	sst s10  }
0x32: {  	s10 =	sld [smem:$0x3FB2];
	_ =	sdelay $0x3  }
0x33: {  	p0 =	seq.s32 s10, $0x1;
	s10 =	sld [smem:$0x3FB4];
	_ =	sdelay $0x3  }
0x34: {  	[smem:$0x3FB4] =	sst s10  }
0x35: {  	s10 =	sld [smem:$0x3FB3];
	_ =	sdelay $0x3  }
0x36: {  	p1 =	seq.s32 s10, $0x1;
	s10 =	sld [smem:$0x3FB4];
	_ =	sdelay $0x3  }
0x37: {  	[smem:$0x3FB4] =	sst s10  }
0x38: {  	s10 =	sld [smem:$0x3FB5]  }
0x39: {  	_ = 	snop;
	(pc) =	sbr.ind lr, $3  }
0x3a: {  	_ = 	snop  }
0x3b: {  	_ = 	snop  }
0x3c: {  	p2 =	seq.s32 s10, $0x1;
	s10 =	sld [smem:$0x3FB4]  }
0x3d: {  	_ =	shalt  }
0x3e: {  	_ =	shalt  }
0x3f: {  	_ =	shalt  }
0x40: {  	_ =	shalt  }
0x41: {  	_ =	shalt  }
0x42: {  	_ =	shalt  }
0x43: {  	_ =	shalt  }
0x44: {  	_ =	shalt  }
0x45: {  	_ =	shalt  }
0x46: {  	_ =	shalt  }
0x47: {  	_ =	shalt  }
0x48: {  	_ =	shalt  }
0x49: {  	_ =	shalt  }
0x4a: {  	_ =	shalt  }
0x4b: {  	_ =	shalt  }
0x4c: {  	_ =	shalt  }
0x4d: {  	_ =	shalt  }
0x4e: {  	_ =	shalt  }
0x4f: {  	_ =	shalt  }
0x50: {  	_ =	shalt  }
0x51: {  	_ =	shalt  }
0x52: {  	_ =	shalt  }
0x53: {  	_ =	shalt  }
0x54: {  	_ =	shalt  }
0x55: {  	_ =	shalt  }
0x56: {  	_ =	shalt  }
0x57: {  	_ =	shalt  }
0x58: {  	_ =	shalt  }
0x59: {  	_ =	shalt  }
0x5a: {  	_ =	shalt  }
0x5b: {  	_ =	shalt  }
0x5c: {  	_ =	shalt  }
0x5d: {  	_ =	shalt  }
0x5e: {  	_ =	shalt  }
0x5f: {  	_ =	shalt  }
0x60: {  	_ =	shalt  }
0x61: {  	_ =	shalt  }
0x62: {  	_ =	shalt  }
0x63: {  	_ =	shalt  }
0x64: {  	_ =	shalt  }
0x65: {  	_ =	shalt  }
0x66: {  	_ =	shalt  }
0x67: {  	_ =	shalt  }
0x68: {  	_ =	shalt  }
0x69: {  	_ =	shalt  }
0x6a: {  	_ =	shalt  }
0x6b: {  	_ =	shalt  }
0x6c: {  	_ =	shalt  }
0x6d: {  	_ =	shalt  }
0x6e: {  	_ =	shalt  }
0x6f: {  	_ =	shalt  }
0x70: {  	_ =	shalt  }
0x71: {  	_ =	shalt  }
0x72: {  	_ =	shalt  }
0x73: {  	_ =	shalt  }
0x74: {  	_ =	shalt  }
0x75: {  	_ =	shalt  }
0x76: {  	_ =	shalt  }
0x77: {  	_ =	shalt  }
0x78: {  	_ =	shalt  }
0x79: {  	_ =	shalt  }
0x7a: {  	_ =	shalt  }
0x7b: {  	_ =	shalt  }
0x7c: {  	_ =	shalt  }
0x7d: {  	_ =	shalt  }
0x7e: {  	_ =	shalt  }
0x7f: {  	_ =	shalt  }
0x80: {  	_ =	shalt  }
0x81: {  	_ =	shalt  }
0x82: {  	_ =	shalt  }
0x83: {  	_ =	shalt  }
0x84: {  	_ =	shalt  }
0x85: {  	_ =	shalt  }
0x86: {  	_ =	shalt  }
0x87: {  	_ =	shalt  }
.Lfunc_end0:
.L_simem_size_0:
called_computation.2_lowered:
.L_overlay_start_0:
0x88: {  	s2 =	sld [smem:$0x3FD9]  }
0x89: {  	s3 =	sld [smem:$0x3FFE];
	_ =	sdelay $0x1  }
0x8a: {  	s1 =	srdreg.scid  }
0x8b: {  	s0 =	sand.u32 $0x1, s1  }
0x8c: {  	s17 =	sshll.u32 s0, $0xA;
	s2 =	sadd.s32 s3, s2  }
0x8d: {  	s2 =	sadd.s32 s2, s17  }
0x8e: {  	[smem:$0x3FC0] =	sst s2  }
0x8f: {  	_ = 	snop  }
0x90: {  	s2 =	sld [smem:$0x3FD0];
	(tm) =	ssettm $0x1  }
0x91: {  	s18 =	sld [smem:$0x3FFB];
	_ =	sdelay $0x3  }
0x92: {  	_ =	strace s18  }
0x93: {  	s3 =	sld [smem:$0x3FFC];
	_ =	sdelay $0x3  }
0x94: {  	_ =	strace s3  }
0x95: {  	s3 =	sld [smem:$0x3FFD];
	_ =	sdelay $0x3  }
0x96: {  	_ =	strace s3  }
0x97: {  	_ =	strace $0x8FFFFFFF  }
0x98: {  	s19 =	sld [smem:$0x3FDB];
	_ =	sdelay $0x1  }
0x99: {  	s4 =	simm.s32 $_scs_section_size  }
0x9a: {  	s5 =	simm.s32 $_size__tile_overlayer_lowered;
	s6 =	simm.s32 $_tile_overlayer_lowered  }
0x9b: {  	s22 =	simm.s32 $0x1BFF;
	s21 =	sshll.u32 s6, $0x1;
	s3 =	sadd.s32 s4, s19  }
0x9c: {  	s7 =	simm.s32 $0x0;
	s20 =	sshll.u32 s5, $0x1;
	s5 =	sadd.s32 s21, s3  }
0x9d: {  	[timem:s7], [sflag:s22] =	dma.local [hbm:s5], s20  }
0x9e: {  	_ =	swait.ge [sflag:s22], s20  }
0x9f: {  	s4 =	ssub.s32 $0x0, s20;
	[sflag:s22] =	ssyncset.done $0x0  }
0xa0: {  	[sflag:s22] =	ssyncadd.s32 s4;
	_ =	sdelay $0x1  }
0xa1: {  	s23 =	simm.s32 $0x1B8B  }
0xa2: {  	_ =	swait.ge [sflag:s23], $0x1  }
0xa3: {  	[sflag:s23] =	ssyncset.done $0x0  }
0xa4: {  	s25 =	simm.s32 $0x1B8E;
	s24 =	sld [smem:$0x3FFE];
	[sflag:s23] =	ssyncadd.s32 $0xFFFFFFFF  }
0xa5: {  	s26 =	simm.s32 $execute0_lowered;
	[smem:$0x3FD2] =	sst s25  }
0xa6: {  	s5 =	sshll.u32 s26, $0x1;
	_ =	strace $0x8000004C;
	[dreg:$0x1] =	wrdreg $0xFFFFFFFF  }
0xa7: {  	s28 =	simm.s32 $_size_execute0_lowered;
	s3 =	sadd.s32 s3, s5;
	[dreg:$0x0] =	wrdreg $0x0  }
0xa8: {  	s5 =	sshll.u32 s28, $0x1;
	[dreg:$0x2] =	wrdreg s3  }
0xa9: {  	[dreg:$0x3] =	wrdreg s5  }
0xaa: {  	[dreg:$0x4] =	wrdreg $0xC0  }
0xab: {  	_ =	task [dreg:s7], $0x5FFFF  }
0xac: {  	[dreg:$0x1] =	wrdreg $0xFFFFFFFF  }
0xad: {  	[dreg:$0x0] =	wrdreg $0x60  }
0xae: {  	[dreg:$0x2] =	wrdreg s24  }
0xaf: {  	[dreg:$0x3] =	wrdreg s2  }
0xb0: {  	[dreg:$0x4] =	wrdreg $0x5F000  }
0xb1: {  	[dreg:$0x5] =	wrdreg $0x9  }
0xb2: {  	_ =	task.clear_ibuf [dreg:s7], $0x6FFFF;
	_ =	strace $0x9000004C  }
0xb3: {  	s29 =	simm.s32 $0x9;
	_ =	strace $0x8000004E  }
0xb4: {  	_ =	swait.ge [sflag:s29], $0x1  }
0xb5: {  	[sflag:s29] =	ssyncadd.s32 $0xFFFFFFFF  }
0xb6: {  	_ =	strace $0x9000004E  }
0xb7: {  	_ =	sfence  }
0xb8: {  	s30 =	sld [smem:$0x0];
	_ =	sdelay $0x2  }
0xb9: {  	s31 =	sshll.u32 s1, $0xD;
	s1 =	sshrl.u32 s1, $0x2  }
0xba: {  	s3 =	sand.u32 $0x4000, s31;
	s1 =	sadd.s32 s1, s30  }
0xbb: {  	s0 =	sor.u32 s3, s0;
	s1 =	sshll.u32 s1, $0x11  }
0xbc: {  	s0 =	sor.u32 s1, s0  }
0xbd: {  	s0 =	sadd.s32 $0x8F2B, s0  }
0xbe: {  	[sflag:s0] =	ssyncadd.remote.s32 $0x1  }
0xbf: {  	_ =	sfence.sel $0xFFFF  }
0xc0: {  	[dreg:$0x0] =	wrdreg $0xFFFFFFFF;
	(pc) =	sbr.abs _section_cstart, $3  }
0xc1: {  	[dreg:$0x1] =	wrdreg $0xFFFFFFFF  }
0xc2: {  	_ =	task.clear_ibuf [dreg:s7], $0x2FFFF;
	_ =	strace $0x9FFFFFFF  }
0xc3: {  	(tm) =	ssettm $0x7FFFFFFF  }
tec
execute0_lowered:
.L_overlay_start_1:
0x0: {  	(tag) =	ssettag $0x1  }
0x1: {  	s5 =	rddreg [dreg:$0x0]  }
0x2: {  	s9 =	rddreg [dreg:$0x1]  }
0x3: {  	s2 =	rddreg [dreg:$0x2]  }
0x4: {  	s3 =	srdreg.scid;
	s1 =	stileid.u32  }
0x5: {  	s0 =	rddreg [dreg:$0x3];
	s16 =	simm.s32 $0x1;
	s17 =	simm.s32 $0x0  }
0x6: {  	s6 =	sand.u32 $0x1, s3;
	s4 =	smul.u32 $0x4E, s1;
	s3 =	simm.s32 $0x0  }
0x7: {  	s8 =	smin.u32 s1, $0x2;
	s26 =	smul.u32 $0xA000, s1;
	p0 =	slt.u32 s1, $0x2  }
0x8: {  	s31 =	sshll.u32 s1, $0x6;
	s7 =	ssub.s32 $0x0, s6;
	[smem:$0x7FF] =	sst s3  }
0x9: {  	s10 =	smul.u32 $0xA0000, s6;
	s6 =	ssub.s32 $0x2, s6;
	s7 =	sand.u32 $0x4E2, s7  }
0xa: {  	s4 =	sadd.s32 s4, s8;
	_ =	strace $0x8000004D;
	s29 =	sshrl.u32 s26, $0x4  }
0xb: {  	s13 =	sshrl.u32 s6, $0x1;
	s30 =	sshrl.u32 s26, $0x1;
	s7 =	sadd.s32 s7, s4  }
0xc: {  	s4 =	sadd.s32 $0x1D800, s5;
	s28 =	sadd.s32 s26, s10;
	s10 =	sadd.s32 s29, s5  }
0xd: {  	s13 =	ssub.s32 s6, s13;
	s15 =	sadd.s32 s30, s2;
	s11 =	sshll.u32 s7, $0x4  }
0xe: {  	s7 =	sshrl.u32 s28, $0x4;
	s6 =	sadd.s32 $0x13800, s10;
	s12 =	sadd.s32 s11, s5  }
0xf: {  	s14 =	sadd.s32 s7, s5;
	s5 =	simm.s32 $0x4F;
	s7 =	sor.u32 $0x1C02, s31  }
0x10: {  	s9 =	sadd.s32 s9, s11;
	s11 =	smax.u32 s13, $0x1;
	s13 =	simm.s32 $0x2  }
0x11: {  	s5 =	simm.s32 @!p0 $0x4E;
	s8 =	sadd.s32 $0x9600, s12;
	s10 =	sadd.s32 $0x27800, s14  }
0x12: {  	s12 =	sshrl.u32 s15, $0x3;
	s14 =	simm.s32 $0x80;
	s15 =	simm.s32 $0x4F00  }
.LBB2_1:
0x13: {  	[spmem:s12], [sflag:s7] =	dma.local [hbm:s6], $0xA00  }
0x14: {  	_ =	swait.ge [sflag:s13], $0xA00  }
0x15: {  	[sflag:s13] =	ssyncset.done $0x0  }
0x16: {  	[sflag:s13] =	ssyncadd.s32 $0xFFFFF600  }
0x17: {  	[tilespmem:s3], [sflag:$0x2] =	stream.linear.gather [hbm4b:s8+s3], $0x2780, $0x38;
	[tilespmem:$0xAF00] =	vst v63  }
0x18: {  	_ =	swait.ge [sflag:s13], $0x2780  }
0x19: {  	[sflag:s13] =	ssyncset.done $0x0  }
0x1a: {  	s18 =	simm.s32 $0x2780;
	[sflag:s13] =	ssyncadd.s32 $0xFFFFD880  }
0x1b: {  	[tilespmem:s18], [sflag:$0x2] =	stream.linear.gather [hbm4b:s9+s3], $0x2780, $0x38;
	[tilespmem:$0xAF00] =	vst v63  }
0x1c: {  	_ =	swait.ge [sflag:s13], $0x2780  }
0x1d: {  	[sflag:s13] =	ssyncset.done $0x0  }
0x1e: {  	[sflag:s13] =	ssyncadd.s32 $0xFFFFD880  }
0x1f: {  	[bflag:$0x0] =	sbarrier.arrive $0xFFFF  }
0x20: {  	[tilespmem:s15], [sflag:$0x1] =	stream.indirect.gather [hbm4b:s4+s14], $0x20, s3, s14, $0xb8;
	[tilespmem:$0xAF00] =	vst v63  }
0x21: {  	p0 =	sne.s32 s5, $0x1;
	_ =	swait.ge [sflag:s16], $0x1000  }
.Ltmp0:
0x22: {  	[sflag:s16] =	ssyncset.done $0x0;
	(pc) =	sbr.rel @!p0 .LBB2_3-.Ltmp0, $4  }
0x23: {  	[sflag:s16] =	ssyncadd.s32 $0xFFFFF000  }
0x24: {  	[spmem:s2] =	stream.indirect.scatter.add.bf16 [tilespmem:s15], [sflag:$0x2], $0x20, s18, s14, $0xb8;
	[tilespmem:$0xAF00] =	vst v63  }
0x25: {  	_ =	swait.ge [sflag:s13], $0x1000  }
0x26: {  	s19 =	sadd.s32 $0xFFFFFFFF, s5;
	s20 =	simm.s32 $0x0;
	[sflag:s13] =	ssyncset.done $0x0  }
.LBB2_2:
0x27: {  	[sflag:s13] =	ssyncadd.s32 $0xFFFFF000;
	s20 =	sadd.s32 $0x80, s20;
	s18 =	sadd.s32 $0x80, s18  }
0x28: {  	[tilespmem:s15], [sflag:$0x1] =	stream.indirect.gather [hbm4b:s4+s14], $0x20, s20, s14, $0xb8;
	[tilespmem:$0xAF00] =	vst v63  }
0x29: {  	p0 =	sne.s32 s19, $0x1;
	s19 =	sadd.s32 $0xFFFFFFFF, s19;
	_ =	swait.ge [sflag:s16], $0x1000  }
.Ltmp1:
0x2a: {  	[sflag:s16] =	ssyncset.done $0x0;
	(pc) =	sbr.rel @p0 .LBB2_2-.Ltmp1, $4  }
0x2b: {  	[sflag:s16] =	ssyncadd.s32 $0xFFFFF000  }
0x2c: {  	[spmem:s2] =	stream.indirect.scatter.add.bf16 [tilespmem:s15], [sflag:$0x2], $0x20, s18, s14, $0xb8;
	[tilespmem:$0xAF00] =	vst v63  }
0x2d: {  	_ =	swait.ge [sflag:s13], $0x1000  }
0x2e: {  	[sflag:s13] =	ssyncset.done $0x0  }
.LBB2_3:
0x2f: {  	s17 =	sadd.s32 $0x1, s17  }
0x30: {  	[sflag:s13] =	ssyncadd.s32 $0xFFFFF000;
	p0 =	sne.s32 s17, s11  }
.Ltmp2:
0x31: {  	[bflag:$0x0] =	sbarrier.arrive $0xFFFF;
	(pc) =	sbr.rel @p0 .LBB2_1-.Ltmp2, $4  }
0x32: {  	[hbm:s10], [sflag:s7] =	dma.local [spmem:s12], $0xA00  }
0x33: {  	_ =	swait.ge [sflag:s13], $0xA00  }
0x34: {  	[sflag:s13] =	ssyncset.done $0x0  }
0x35: {  	[sflag:s13] =	ssyncadd.s32 $0xFFFFF600  }
0x36: {  	_ =	sfence.sel $0x180000  }
0x37: {  	[bflag:$0x0] =	sbarrier.arrive $0xFFFF  }
0x38: {  	p0 =	sne.s32 s1, $0x0;
	_ =	strace $0x9000004D  }
0x39: {  	s0 =	sadd.s32 @!p0 $0x100000, s0;
	[bflag:$0x2] =	sbarrier.arrive $0xFFFF  }
0x3a: {  	[sflag:s0] =	ssyncadd.tile.s32 @!p0 $0x1;
	_ =	shalt  }
.Lfunc_end2:
_tile_overlayer_lowered:
.L_overlay_start_2:
0x3b: {  	(tag) =	ssettag $0x2  }
0x3c: {  	s0 =	rddreg [dreg:$0x0];
	s2 =	stileid.u32  }
0x3d: {  	s1 =	rddreg [dreg:$0x1];
	p0 =	sne.s32 s2, $0x0  }
0x3e: {  	s3 =	rddreg [dreg:$0x2];
	[bflag:$0x3] =	sbarrier.arrive $0xFFFF;
	s2 =	simm.s32 @!p0 $0x1C02  }
0x3f: {  	[timem:s3], [sflag:s2] =	dma.local @!p0 [hbm:s0], s1  }
0x40: {  	s0 =	simm.s32 @!p0 $0x2  }
0x41: {  	_ =	swait.ge @!p0 [sflag:s0], s1  }
0x42: {  	s1 =	ssub.s32 @!p0 $0x0, s1;
	[sflag:s0] =	ssyncset.done @!p0 $0x0  }
0x43: {  	[sflag:s0] =	ssyncadd.s32 @!p0 s1  }
0x44: {  	[bflag:$0x3] =	sbarrier.arrive $0xFFFF  }
0x45: {  	_ =	shalt  }

// kernel: kernel.19.cloned.1.call-start
scs
__scs_entry_jumppad:
0x0: {  	(pc) =	sbr.rel $0x88, $3  }
0x1: {  	(tag) =	ssettag $0x0;
	lr =	simm.s32 $0x1  }
0x2: {  	[smem:$0x3F99] =	sst lr;
	_ =	strace $0xD0000000  }
0x3: {  	_ = 	snop  }
0x4: {  	_ = 	snop  }
0x5: {  	_ = 	snop  }
0x6: {  	_ = 	snop  }
0x7: {  	_ = 	snop  }
__scs_overlays_trampoline_lowered:
0x8: {  	[smem:$0x3FA8] =	sst s0  }
0x9: {  	[smem:$0x3FA9] =	sst s1  }
0xa: {  	[smem:$0x3FAA] =	sst s2  }
0xb: {  	[smem:$0x3FAB] =	sst s3  }
0xc: {  	[smem:$0x3FAC] =	sst s4  }
0xd: {  	[smem:$0x3FAD] =	sst s5  }
0xe: {  	[smem:$0x3FAE] =	sst s6  }
0xf: {  	[smem:$0x3FAF] =	sst s7  }
0x10: {  	[smem:$0x3FB0] =	sst s8  }
0x11: {  	[smem:$0x3FB1] =	sst s9;
	s0 =	simm.s32 @!p0 $0x0  }
0x12: {  	s1 =	sld [smem:$0x3F97];
	s0 =	simm.s32 @p0 $0x1  }
0x13: {  	[smem:$0x3FB2] =	sst s0;
	s0 =	simm.s32 @!p1 $0x0  }
0x14: {  	s2 =	sld [smem:$0x3F96];
	s0 =	simm.s32 @p1 $0x1  }
0x15: {  	[smem:$0x3FB3] =	sst s0;
	s0 =	simm.s32 @!p2 $0x0  }
0x16: {  	s3 =	sld [smem:$0x3FDB];
	s0 =	simm.s32 @p2 $0x1  }
0x17: {  	s4 =	simm.s32 $0x1BF5;
	[smem:$0x3FB5] =	sst s0  }
0x18: {  	s0 =	sld [smem:$0x3F98];
	_ =	swait.ge [sflag:s4], $0x0  }
0x19: {  	s7 =	sld [smem:$0x3F99]  }
0x1a: {  	s8 =	sadd.s32 $0xFFFFE003, lr  }
0x1b: {  	s9 =	sadd.s32 $0xFFFFFEF7, lr;
	s5 =	simm.s32 $0xFFFFFFFF;
	p2 =	slt.u32 s8, $0xFFFFF086  }
0x1c: {  	p1 =	slt.u32 s9, $0xF7A;
	s5 =	simm.s32 @!p2 $0x0  }
0x1d: {  	s5 =	simm.s32 @p1 $0x1;
	p0 =	seq.s32 s7, s2  }
0x1e: {  	s7 =	smul.u32 @!p0 $0xF7A, s2;
	p2 =	seq.s32 @!p0 s5, $0x0  }
0x1f: {  	s9 =	smul.u32 $0xF7A, s1;
	s8 =	simm.s32 @!p0 $0x1BF5;
	p2 =	por !p2, p0  }
0x20: {  	[sflag:s8] =	ssyncset.s32 @!p0 $0xFFFFF086;
	s6 =	sadd.s32 @!p0 s3, s7;
	s7 =	simm.s32 @!p0 $0x108  }
0x21: {  	s3 =	sadd.s32 s3, s9;
	s6 =	sadd.s32 @!p0 $0x88, s6;
	s7 =	simm.s32 @p2 $0x1082  }
0x22: {  	[simem:s7], [sflag:s8] =	dma.local @!p0 [hbm:s6], $0xF7A  }
0x23: {  	s9 =	sor.u32 $0xD0000000, s2;
	s6 =	simm.s32 $0x108;
	_ =	swait.ge @!p0 [sflag:s8], $0x0  }
0x24: {  	s3 =	sadd.s32 $0x88, s3;
	s6 =	simm.s32 @!p1 $0x1082;
	[sflag:s4] =	ssyncset.s32 $0xFFFFF086  }
0x25: {  	[simem:s6], [sflag:s4] =	dma.local [hbm:s3], $0xF7A  }
0x26: {  	[smem:$0x3F99] =	sst s1;
	(tag) =	ssettag s2;
	_ =	strace s9  }
0x27: {  	s1 =	sld [smem:$0x3FA9]  }
0x28: {  	s2 =	sld [smem:$0x3FAA]  }
0x29: {  	s4 =	sld [smem:$0x3FAC]  }
0x2a: {  	p0 =	seq.s32 s5, $0x0;
	s5 =	sld [smem:$0x3FAD]  }
0x2b: {  	s6 =	sld [smem:$0x3FAE]  }
0x2c: {  	s7 =	sld [smem:$0x3FAF]  }
0x2d: {  	s3 =	simm.s32 $0x108;
	s8 =	sld [smem:$0x3FB0]  }
0x2e: {  	s3 =	simm.s32 @!p0 $0x1082;
	s9 =	sld [smem:$0x3FB1]  }
0x2f: {  	lr =	sadd.s32 s0, s3;
	s0 =	sld [smem:$0x3FA8]  }
0x30: {  	s3 =	sld [smem:$0x3FAB]  }
0x31: {  	[smem:$0x3FB4] =	sst s10  }
0x32: {  	s10 =	sld [smem:$0x3FB2];
	_ =	sdelay $0x3  }
0x33: {  	p0 =	seq.s32 s10, $0x1;
	s10 =	sld [smem:$0x3FB4];
	_ =	sdelay $0x3  }
0x34: {  	[smem:$0x3FB4] =	sst s10  }
0x35: {  	s10 =	sld [smem:$0x3FB3];
	_ =	sdelay $0x3  }
0x36: {  	p1 =	seq.s32 s10, $0x1;
	s10 =	sld [smem:$0x3FB4];
	_ =	sdelay $0x3  }
0x37: {  	[smem:$0x3FB4] =	sst s10  }
0x38: {  	s10 =	sld [smem:$0x3FB5]  }
0x39: {  	_ = 	snop;
	(pc) =	sbr.ind lr, $3  }
0x3a: {  	_ = 	snop  }
0x3b: {  	_ = 	snop  }
0x3c: {  	p2 =	seq.s32 s10, $0x1;
	s10 =	sld [smem:$0x3FB4]  }
0x3d: {  	_ =	shalt  }
0x3e: {  	_ =	shalt  }
0x3f: {  	_ =	shalt  }
0x40: {  	_ =	shalt  }
0x41: {  	_ =	shalt  }
0x42: {  	_ =	shalt  }
0x43: {  	_ =	shalt  }
0x44: {  	_ =	shalt  }
0x45: {  	_ =	shalt  }
0x46: {  	_ =	shalt  }
0x47: {  	_ =	shalt  }
0x48: {  	_ =	shalt  }
0x49: {  	_ =	shalt  }
0x4a: {  	_ =	shalt  }
0x4b: {  	_ =	shalt  }
0x4c: {  	_ =	shalt  }
0x4d: {  	_ =	shalt  }
0x4e: {  	_ =	shalt  }
0x4f: {  	_ =	shalt  }
0x50: {  	_ =	shalt  }
0x51: {  	_ =	shalt  }
0x52: {  	_ =	shalt  }
0x53: {  	_ =	shalt  }
0x54: {  	_ =	shalt  }
0x55: {  	_ =	shalt  }
0x56: {  	_ =	shalt  }
0x57: {  	_ =	shalt  }
0x58: {  	_ =	shalt  }
0x59: {  	_ =	shalt  }
0x5a: {  	_ =	shalt  }
0x5b: {  	_ =	shalt  }
0x5c: {  	_ =	shalt  }
0x5d: {  	_ =	shalt  }
0x5e: {  	_ =	shalt  }
0x5f: {  	_ =	shalt  }
0x60: {  	_ =	shalt  }
0x61: {  	_ =	shalt  }
0x62: {  	_ =	shalt  }
0x63: {  	_ =	shalt  }
0x64: {  	_ =	shalt  }
0x65: {  	_ =	shalt  }
0x66: {  	_ =	shalt  }
0x67: {  	_ =	shalt  }
0x68: {  	_ =	shalt  }
0x69: {  	_ =	shalt  }
0x6a: {  	_ =	shalt  }
0x6b: {  	_ =	shalt  }
0x6c: {  	_ =	shalt  }
0x6d: {  	_ =	shalt  }
0x6e: {  	_ =	shalt  }
0x6f: {  	_ =	shalt  }
0x70: {  	_ =	shalt  }
0x71: {  	_ =	shalt  }
0x72: {  	_ =	shalt  }
0x73: {  	_ =	shalt  }
0x74: {  	_ =	shalt  }
0x75: {  	_ =	shalt  }
0x76: {  	_ =	shalt  }
0x77: {  	_ =	shalt  }
0x78: {  	_ =	shalt  }
0x79: {  	_ =	shalt  }
0x7a: {  	_ =	shalt  }
0x7b: {  	_ =	shalt  }
0x7c: {  	_ =	shalt  }
0x7d: {  	_ =	shalt  }
0x7e: {  	_ =	shalt  }
0x7f: {  	_ =	shalt  }
0x80: {  	_ =	shalt  }
0x81: {  	_ =	shalt  }
0x82: {  	_ =	shalt  }
0x83: {  	_ =	shalt  }
0x84: {  	_ =	shalt  }
0x85: {  	_ =	shalt  }
0x86: {  	_ =	shalt  }
0x87: {  	_ =	shalt  }
.Lfunc_end0:
.L_simem_size_0:
called_computation.3_lowered:
.L_overlay_start_0:
0x88: {  	s2 =	sld [smem:$0x3FD9]  }
0x89: {  	s3 =	sld [smem:$0x3FFE];
	_ =	sdelay $0x1  }
0x8a: {  	s1 =	srdreg.scid  }
0x8b: {  	s0 =	sand.u32 $0x1, s1  }
0x8c: {  	s17 =	sshll.u32 s0, $0xA;
	s2 =	sadd.s32 s3, s2  }
0x8d: {  	s2 =	sadd.s32 s2, s17  }
0x8e: {  	[smem:$0x3FC0] =	sst s2  }
0x8f: {  	_ = 	snop  }
0x90: {  	s2 =	sld [smem:$0x3FD0];
	(tm) =	ssettm $0x1  }
0x91: {  	s18 =	sld [smem:$0x3FFB];
	_ =	sdelay $0x3  }
0x92: {  	_ =	strace s18  }
0x93: {  	s3 =	sld [smem:$0x3FFC];
	_ =	sdelay $0x3  }
0x94: {  	_ =	strace s3  }
0x95: {  	s3 =	sld [smem:$0x3FFD];
	_ =	sdelay $0x3  }
0x96: {  	_ =	strace s3  }
0x97: {  	_ =	strace $0x8FFFFFFF  }
0x98: {  	s19 =	sld [smem:$0x3FDB];
	_ =	sdelay $0x1  }
0x99: {  	s4 =	simm.s32 $_scs_section_size  }
0x9a: {  	s5 =	simm.s32 $_size__tile_overlayer_lowered;
	s6 =	simm.s32 $_tile_overlayer_lowered  }
0x9b: {  	s22 =	simm.s32 $0x1BFF;
	s21 =	sshll.u32 s6, $0x1;
	s3 =	sadd.s32 s4, s19  }
0x9c: {  	s7 =	simm.s32 $0x0;
	s20 =	sshll.u32 s5, $0x1;
	s5 =	sadd.s32 s21, s3  }
0x9d: {  	[timem:s7], [sflag:s22] =	dma.local [hbm:s5], s20  }
0x9e: {  	_ =	swait.ge [sflag:s22], s20  }
0x9f: {  	s4 =	ssub.s32 $0x0, s20;
	[sflag:s22] =	ssyncset.done $0x0  }
0xa0: {  	[sflag:s22] =	ssyncadd.s32 s4;
	_ =	sdelay $0x1  }
0xa1: {  	s23 =	simm.s32 $0x1B8B  }
0xa2: {  	_ =	swait.ge [sflag:s23], $0x1  }
0xa3: {  	[sflag:s23] =	ssyncset.done $0x0  }
0xa4: {  	s25 =	simm.s32 $0x1B8E;
	s24 =	sld [smem:$0x3FFE];
	[sflag:s23] =	ssyncadd.s32 $0xFFFFFFFF  }
0xa5: {  	s26 =	simm.s32 $execute0_lowered;
	[smem:$0x3FD2] =	sst s25  }
0xa6: {  	s5 =	sshll.u32 s26, $0x1;
	_ =	strace $0x8000004F;
	[dreg:$0x1] =	wrdreg $0xFFFFFFFF  }
0xa7: {  	s28 =	simm.s32 $_size_execute0_lowered;
	s3 =	sadd.s32 s3, s5;
	[dreg:$0x0] =	wrdreg $0x0  }
0xa8: {  	s5 =	sshll.u32 s28, $0x1;
	[dreg:$0x2] =	wrdreg s3  }
0xa9: {  	[dreg:$0x3] =	wrdreg s5  }
0xaa: {  	[dreg:$0x4] =	wrdreg $0xC0  }
0xab: {  	_ =	task [dreg:s7], $0x5FFFF  }
0xac: {  	[dreg:$0x1] =	wrdreg $0xFFFFFFFF  }
0xad: {  	[dreg:$0x0] =	wrdreg $0x60  }
0xae: {  	[dreg:$0x2] =	wrdreg s24  }
0xaf: {  	[dreg:$0x3] =	wrdreg s2  }
0xb0: {  	[dreg:$0x4] =	wrdreg $0x5F000  }
0xb1: {  	[dreg:$0x5] =	wrdreg $0x9  }
0xb2: {  	_ =	task.clear_ibuf [dreg:s7], $0x6FFFF;
	_ =	strace $0x9000004F  }
0xb3: {  	s29 =	simm.s32 $0x9;
	_ =	strace $0x80000051  }
0xb4: {  	_ =	swait.ge [sflag:s29], $0x1  }
0xb5: {  	[sflag:s29] =	ssyncadd.s32 $0xFFFFFFFF  }
0xb6: {  	_ =	strace $0x90000051  }
0xb7: {  	_ =	sfence  }
0xb8: {  	s30 =	sld [smem:$0x0];
	_ =	sdelay $0x2  }
0xb9: {  	s31 =	sshll.u32 s1, $0xD;
	s1 =	sshrl.u32 s1, $0x2  }
0xba: {  	s3 =	sand.u32 $0x4000, s31;
	s1 =	sadd.s32 s1, s30  }
0xbb: {  	s0 =	sor.u32 s3, s0;
	s1 =	sshll.u32 s1, $0x11  }
0xbc: {  	s0 =	sor.u32 s1, s0  }
0xbd: {  	s0 =	sadd.s32 $0x8F2B, s0  }
0xbe: {  	[sflag:s0] =	ssyncadd.remote.s32 $0x1  }
0xbf: {  	_ =	sfence.sel $0xFFFF  }
0xc0: {  	[dreg:$0x0] =	wrdreg $0xFFFFFFFF;
	(pc) =	sbr.abs _section_cstart, $3  }
0xc1: {  	[dreg:$0x1] =	wrdreg $0xFFFFFFFF  }
0xc2: {  	_ =	task.clear_ibuf [dreg:s7], $0x2FFFF;
	_ =	strace $0x9FFFFFFF  }
0xc3: {  	(tm) =	ssettm $0x7FFFFFFF  }
tec
execute0_lowered:
.L_overlay_start_1:
0x0: {  	(tag) =	ssettag $0x1  }
0x1: {  	s5 =	rddreg [dreg:$0x0]  }
0x2: {  	s9 =	rddreg [dreg:$0x1]  }
0x3: {  	s2 =	rddreg [dreg:$0x2]  }
0x4: {  	s3 =	srdreg.scid;
	s1 =	stileid.u32  }
0x5: {  	s0 =	rddreg [dreg:$0x3];
	s16 =	simm.s32 $0x1;
	s17 =	simm.s32 $0x0  }
0x6: {  	s6 =	sand.u32 $0x1, s3;
	s4 =	smul.u32 $0x4E, s1;
	s3 =	simm.s32 $0x0  }
0x7: {  	s8 =	smin.u32 s1, $0x2;
	s26 =	smul.u32 $0xA000, s1;
	p0 =	slt.u32 s1, $0x2  }
0x8: {  	s31 =	sshll.u32 s1, $0x6;
	s7 =	ssub.s32 $0x0, s6;
	[smem:$0x7FF] =	sst s3  }
0x9: {  	s10 =	smul.u32 $0xA0000, s6;
	s6 =	ssub.s32 $0x2, s6;
	s7 =	sand.u32 $0x4E2, s7  }
0xa: {  	s4 =	sadd.s32 s4, s8;
	_ =	strace $0x80000050;
	s29 =	sshrl.u32 s26, $0x4  }
0xb: {  	s13 =	sshrl.u32 s6, $0x1;
	s30 =	sshrl.u32 s26, $0x1;
	s7 =	sadd.s32 s7, s4  }
0xc: {  	s4 =	sadd.s32 $0x1D800, s5;
	s28 =	sadd.s32 s26, s10;
	s10 =	sadd.s32 s29, s5  }
0xd: {  	s13 =	ssub.s32 s6, s13;
	s15 =	sadd.s32 s30, s2;
	s11 =	sshll.u32 s7, $0x4  }
0xe: {  	s7 =	sshrl.u32 s28, $0x4;
	s6 =	sadd.s32 $0x13800, s10;
	s12 =	sadd.s32 s11, s5  }
0xf: {  	s14 =	sadd.s32 s7, s5;
	s5 =	simm.s32 $0x4F;
	s7 =	sor.u32 $0x1C02, s31  }
0x10: {  	s9 =	sadd.s32 s9, s11;
	s11 =	smax.u32 s13, $0x1;
	s13 =	simm.s32 $0x2  }
0x11: {  	s5 =	simm.s32 @!p0 $0x4E;
	s8 =	sadd.s32 $0x9600, s12;
	s10 =	sadd.s32 $0x27800, s14  }
0x12: {  	s12 =	sshrl.u32 s15, $0x3;
	s14 =	simm.s32 $0x80;
	s15 =	simm.s32 $0x4F00  }
.LBB2_1:
0x13: {  	[spmem:s12], [sflag:s7] =	dma.local [hbm:s6], $0xA00  }
0x14: {  	_ =	swait.ge [sflag:s13], $0xA00  }
0x15: {  	[sflag:s13] =	ssyncset.done $0x0  }
0x16: {  	[sflag:s13] =	ssyncadd.s32 $0xFFFFF600  }
0x17: {  	[tilespmem:s3], [sflag:$0x2] =	stream.linear.gather [hbm4b:s8+s3], $0x2780, $0x38;
	[tilespmem:$0xAF00] =	vst v63  }
0x18: {  	_ =	swait.ge [sflag:s13], $0x2780  }
0x19: {  	[sflag:s13] =	ssyncset.done $0x0  }
0x1a: {  	s18 =	simm.s32 $0x2780;
	[sflag:s13] =	ssyncadd.s32 $0xFFFFD880  }
0x1b: {  	[tilespmem:s18], [sflag:$0x2] =	stream.linear.gather [hbm4b:s9+s3], $0x2780, $0x38;
	[tilespmem:$0xAF00] =	vst v63  }
0x1c: {  	_ =	swait.ge [sflag:s13], $0x2780  }
0x1d: {  	[sflag:s13] =	ssyncset.done $0x0  }
0x1e: {  	[sflag:s13] =	ssyncadd.s32 $0xFFFFD880  }
0x1f: {  	[bflag:$0x0] =	sbarrier.arrive $0xFFFF  }
0x20: {  	[tilespmem:s15], [sflag:$0x1] =	stream.indirect.gather [hbm4b:s4+s14], $0x20, s3, s14, $0xb8;
	[tilespmem:$0xAF00] =	vst v63  }
0x21: {  	p0 =	sne.s32 s5, $0x1;
	_ =	swait.ge [sflag:s16], $0x1000  }
.Ltmp0:
0x22: {  	[sflag:s16] =	ssyncset.done $0x0;
	(pc) =	sbr.rel @!p0 .LBB2_3-.Ltmp0, $4  }
0x23: {  	[sflag:s16] =	ssyncadd.s32 $0xFFFFF000  }
0x24: {  	[spmem:s2] =	stream.indirect.scatter.add.bf16 [tilespmem:s15], [sflag:$0x2], $0x20, s18, s14, $0xb8;
	[tilespmem:$0xAF00] =	vst v63  }
0x25: {  	_ =	swait.ge [sflag:s13], $0x1000  }
0x26: {  	s19 =	sadd.s32 $0xFFFFFFFF, s5;
	s20 =	simm.s32 $0x0;
	[sflag:s13] =	ssyncset.done $0x0  }
.LBB2_2:
0x27: {  	[sflag:s13] =	ssyncadd.s32 $0xFFFFF000;
	s20 =	sadd.s32 $0x80, s20;
	s18 =	sadd.s32 $0x80, s18  }
0x28: {  	[tilespmem:s15], [sflag:$0x1] =	stream.indirect.gather [hbm4b:s4+s14], $0x20, s20, s14, $0xb8;
	[tilespmem:$0xAF00] =	vst v63  }
0x29: {  	p0 =	sne.s32 s19, $0x1;
	s19 =	sadd.s32 $0xFFFFFFFF, s19;
	_ =	swait.ge [sflag:s16], $0x1000  }
.Ltmp1:
0x2a: {  	[sflag:s16] =	ssyncset.done $0x0;
	(pc) =	sbr.rel @p0 .LBB2_2-.Ltmp1, $4  }
0x2b: {  	[sflag:s16] =	ssyncadd.s32 $0xFFFFF000  }
0x2c: {  	[spmem:s2] =	stream.indirect.scatter.add.bf16 [tilespmem:s15], [sflag:$0x2], $0x20, s18, s14, $0xb8;
	[tilespmem:$0xAF00] =	vst v63  }
0x2d: {  	_ =	swait.ge [sflag:s13], $0x1000  }
0x2e: {  	[sflag:s13] =	ssyncset.done $0x0  }
.LBB2_3:
0x2f: {  	s17 =	sadd.s32 $0x1, s17  }
0x30: {  	[sflag:s13] =	ssyncadd.s32 $0xFFFFF000;
	p0 =	sne.s32 s17, s11  }
.Ltmp2:
0x31: {  	[bflag:$0x0] =	sbarrier.arrive $0xFFFF;
	(pc) =	sbr.rel @p0 .LBB2_1-.Ltmp2, $4  }
0x32: {  	[hbm:s10], [sflag:s7] =	dma.local [spmem:s12], $0xA00  }
0x33: {  	_ =	swait.ge [sflag:s13], $0xA00  }
0x34: {  	[sflag:s13] =	ssyncset.done $0x0  }
0x35: {  	[sflag:s13] =	ssyncadd.s32 $0xFFFFF600  }
0x36: {  	_ =	sfence.sel $0x180000  }
0x37: {  	[bflag:$0x0] =	sbarrier.arrive $0xFFFF  }
0x38: {  	p0 =	sne.s32 s1, $0x0;
	_ =	strace $0x90000050  }
0x39: {  	s0 =	sadd.s32 @!p0 $0x100000, s0;
	[bflag:$0x2] =	sbarrier.arrive $0xFFFF  }
0x3a: {  	[sflag:s0] =	ssyncadd.tile.s32 @!p0 $0x1;
	_ =	shalt  }
.Lfunc_end2:
_tile_overlayer_lowered:
.L_overlay_start_2:
0x3b: {  	(tag) =	ssettag $0x2  }
0x3c: {  	s0 =	rddreg [dreg:$0x0];
	s2 =	stileid.u32  }
0x3d: {  	s1 =	rddreg [dreg:$0x1];
	p0 =	sne.s32 s2, $0x0  }
0x3e: {  	s3 =	rddreg [dreg:$0x2];
	[bflag:$0x3] =	sbarrier.arrive $0xFFFF;
	s2 =	simm.s32 @!p0 $0x1C02  }
0x3f: {  	[timem:s3], [sflag:s2] =	dma.local @!p0 [hbm:s0], s1  }
0x40: {  	s0 =	simm.s32 @!p0 $0x2  }
0x41: {  	_ =	swait.ge @!p0 [sflag:s0], s1  }
0x42: {  	s1 =	ssub.s32 @!p0 $0x0, s1;
	[sflag:s0] =	ssyncset.done @!p0 $0x0  }
0x43: {  	[sflag:s0] =	ssyncadd.s32 @!p0 s1  }
0x44: {  	[bflag:$0x3] =	sbarrier.arrive $0xFFFF  }
0x45: {  	_ =	shalt  }

</sc_bundles>
